<compile_context>
chip_gen: v7x
topology: tpu7x:2x2x1
jax: 0.10.2.dev20260603
libtpu: 0.0.44.dev20260713+nightly
codegen_flags: <defaults>
</compile_context>

<pallas_src>
import functools

import jax
import jax.numpy as jnp
from jax import lax
from jax.experimental import pallas as pl
from jax.experimental.pallas import tpu as pltpu
from jax.experimental.pallas import tpu_sc as plsc

VOCAB = 100000
D_MODEL = 2048
RANK = 32
RPAD = 128
SCALING = 16.0 / 32.0
DW = D_MODEL // 4

NTOK = 1024 * 50
NC, NS = 2, 16
NW = NC * NS
TPW = NTOK // NW
CHUNK = 80
NCHUNK = TPW // CHUNK
NPAIR = NCHUNK // 2


def _sc_gather(idx_hbm, tableq_hbm, a_hbm, outq_hbm, outa_hbm,
               idx_v, qb0, qb1, ab0, ab1, semg0, semg1, semw0, semw1):
    wid = lax.axis_index("s") * NC + lax.axis_index("c")
    base = wid * TPW
    pltpu.sync_copy(idx_hbm.at[pl.ds(base, TPW)], idx_v)

    qb, ab = (qb0, qb1), (ab0, ab1)
    semg, semw = (semg0, semg1), (semw0, semw1)

    def idxc(j):
        return idx_v.at[pl.ds(j * CHUNK, CHUNK)]

    def out_sl(j, ref):
        return ref.at[pl.ds(base + j * CHUNK, CHUNK)]

    def start_gather(j, p):
        pltpu.async_copy(tableq_hbm.at[idxc(j)], qb[p], semg[p])
        pltpu.async_copy(a_hbm.at[idxc(j)], ab[p], semg[p])

    def wait_gather(j, p):
        pltpu.make_async_copy(tableq_hbm.at[idxc(j)], qb[p], semg[p]).wait()
        pltpu.make_async_copy(a_hbm.at[idxc(j)], ab[p], semg[p]).wait()

    def start_wb(j, p):
        pltpu.async_copy(qb[p], out_sl(j, outq_hbm), semw[p])
        pltpu.async_copy(ab[p], out_sl(j, outa_hbm), semw[p])

    def wait_wb(j, p):
        pltpu.make_async_copy(qb[p], out_sl(j, outq_hbm), semw[p]).wait()
        pltpu.make_async_copy(ab[p], out_sl(j, outa_hbm), semw[p]).wait()

    start_gather(0, 0)
    start_gather(1, 1)

    def body(i, carry):
        j0 = 2 * i
        for p in (0, 1):
            j = j0 + p
            wait_gather(j, p)
            start_wb(j, p)
        for p in (0, 1):
            j = j0 + p
            wait_wb(j, p)
            start_gather(j + 2, p)
        return carry

    lax.fori_loop(0, NPAIR - 1, body, 0)

    j0 = NCHUNK - 2
    for p in (0, 1):
        wait_gather(j0 + p, p)
        start_wb(j0 + p, p)
    for p in (0, 1):
        wait_wb(j0 + p, p)


@functools.cache
def _sc_gather_call():
    return pl.kernel(
        _sc_gather,
        mesh=plsc.VectorSubcoreMesh(core_axis_name="c", subcore_axis_name="s",
                                    num_cores=NC, num_subcores=NS),
        out_type=(
            jax.ShapeDtypeStruct((NTOK, DW), jnp.int32),
            jax.ShapeDtypeStruct((NTOK, RPAD), jnp.float32),
        ),
        scratch_types=[
            pltpu.VMEM((TPW,), jnp.int32),
            pltpu.VMEM((CHUNK, DW), jnp.int32),
            pltpu.VMEM((CHUNK, DW), jnp.int32),
            pltpu.VMEM((CHUNK, RPAD), jnp.float32),
            pltpu.VMEM((CHUNK, RPAD), jnp.float32),
            pltpu.SemaphoreType.DMA,
            pltpu.SemaphoreType.DMA,
            pltpu.SemaphoreType.DMA,
            pltpu.SemaphoreType.DMA,
        ],
    )


PBLK = 800


def _pack_body(w_ref, t_ref):
    b = [(w_ref[:, j * DW:(j + 1) * DW].astype(jnp.int32) & 0xFF)
         for j in range(4)]
    t_ref[...] = (b[0] | lax.shift_left(b[1], 8)
                  | lax.shift_left(b[2], 16) | lax.shift_left(b[3], 24))


def _tc_pack(w):
    return pl.pallas_call(
        _pack_body,
        grid=(VOCAB // PBLK,),
        in_specs=[pl.BlockSpec((PBLK, D_MODEL), lambda i: (i, 0))],
        out_specs=pl.BlockSpec((PBLK, DW), lambda i: (i, 0)),
        out_shape=jax.ShapeDtypeStruct((VOCAB, DW), jnp.int32),
    )(w)


BATCH, SEQ = 1024, 50
BT = 1
TBLK = BT * BATCH


def _tc_body(scale_ref, q_ref, a_ref, b_ref, o_ref):
    scale = scale_ref[0]
    q = q_ref[...]
    lora = jnp.dot(a_ref[...], b_ref[...],
                   preferred_element_type=jnp.float32) * SCALING
    for j in range(4):
        bj = lax.shift_right_arithmetic(
            lax.shift_left(q, jnp.int32(24 - 8 * j)), jnp.int32(24))
        slab = bj.astype(jnp.float32) * scale + lora[:, j * DW:(j + 1) * DW]
        o_ref[:, :, j * DW:(j + 1) * DW] = slab.reshape(BT, BATCH, DW)


def _tc_dense(scale, q, a, b):
    grid = (SEQ // BT,)
    return pl.pallas_call(
        _tc_body,
        grid=grid,
        in_specs=[
            pl.BlockSpec(memory_space=pltpu.SMEM),
            pl.BlockSpec((TBLK, DW), lambda i: (i, 0)),
            pl.BlockSpec((TBLK, RPAD), lambda i: (i, 0)),
            pl.BlockSpec((RPAD, D_MODEL), lambda i: (0, 0)),
        ],
        out_specs=pl.BlockSpec((BT, BATCH, D_MODEL), lambda i: (i, 0, 0)),
        out_shape=jax.ShapeDtypeStruct((SEQ, BATCH, D_MODEL), jnp.float32),
    )(scale, q, a, b)


def kernel(input_ids, w_base_q, w_scale, adapter_A, adapter_B):
    idx = input_ids.astype(jnp.int32).T.reshape(-1)
    t32 = _tc_pack(w_base_q)
    a_pad = jnp.pad(adapter_A, ((0, 0), (0, RPAD - RANK)))
    b_pad = jnp.pad(adapter_B, ((0, RPAD - RANK), (0, 0)))
    q_rows, a_rows = _sc_gather_call()(idx, t32, a_pad)
    out_tm = _tc_dense(w_scale, q_rows, a_rows, b_pad)
    return jnp.swapaxes(out_tm, 0, 1)

# --- scband reference (transcript-rebuilt; emitter-appended) ---
"""Pipeline reference for scband-flat-cached-adapter-embedding-12721693130776 (READ-ONLY COPY).

The authoritative reference and input builder live on the scoring server;
editing this copy changes nothing except your own understanding.
"""

import jax, jax.numpy as jnp
import numpy as np

VOCAB = 100000
D_MODEL = 2048
RANK = 32
ALPHA = 16.0
SCALING = ALPHA / RANK


def setup_inputs(seed: int = 0) -> dict:
    key = jax.random.key(seed)
    k1, k2, k3, k4 = jax.random.split(key, 4)
    input_ids = jax.random.randint(k1, (1024, 50), 0, VOCAB, dtype=jnp.int64)
    # Materialized INT8 base embedding cache (buffer w_base_q) + its scale
    w_base_q = jax.random.randint(k2, (VOCAB, D_MODEL), -127, 128, dtype=jnp.int8)
    w_scale = jnp.array([0.01], dtype=jnp.float32)
    # LoRA adapter params (kaiming-ish A, tiny B)
    adapter_A = jax.random.normal(k3, (VOCAB, RANK), dtype=jnp.float32) * (1.0 / np.sqrt(RANK))
    adapter_B = jax.random.normal(k4, (RANK, D_MODEL), dtype=jnp.float32) * 1e-4
    return {
        'input_ids': input_ids,
        'w_base_q': w_base_q,
        'w_scale': w_scale,
        'adapter_A': adapter_A,
        'adapter_B': adapter_B,
    }


def reference(input_ids, w_base_q, w_scale, adapter_A, adapter_B):
    # CPU/eager path of FlatCachedAdapterEmbedding.forward
    idx_flat = input_ids.reshape(-1)
    w_base = jnp.take(w_base_q, idx_flat, axis=0).astype(jnp.float32) * w_scale
    w_base = w_base.reshape(input_ids.shape + (D_MODEL,))
    a_out = jnp.take(adapter_A, input_ids, axis=0)  # torch.embedding
    lora = (a_out @ adapter_B) * SCALING
    return w_base + lora

if __name__ == "__main__":
    import jax
    _d = setup_inputs()
    print(jax.jit(kernel)(*tuple(_d.values())))

</pallas_src>

<mosaic_0001>
#map = affine_map<(d0, d1) -> (0)>
#map1 = affine_map<(d0, d1) -> (0, 0)>
module attributes {stable_mosaic.version = 14 : i64} {
  func.func @_sc_gather(%arg0: i32, %arg1: i32, %arg2: memref<51200xi32, #tpu.memory_space<hbm>>, %arg3: memref<100000x512xi32, #tpu.memory_space<hbm>>, %arg4: memref<100000x128xf32, #tpu.memory_space<hbm>>, %arg5: memref<51200x512xi32, #tpu.memory_space<hbm>>, %arg6: memref<51200x128xf32, #tpu.memory_space<hbm>>, %arg7: memref<1600xi32, #tpu.memory_space<vmem>>, %arg8: memref<80x512xi32, #tpu.memory_space<vmem>>, %arg9: memref<80x512xi32, #tpu.memory_space<vmem>>, %arg10: memref<80x128xf32, #tpu.memory_space<vmem>>, %arg11: memref<80x128xf32, #tpu.memory_space<vmem>>, %arg12: memref<!tpu.dma_semaphore, #tpu.memory_space<semaphore_mem>>, %arg13: memref<!tpu.dma_semaphore, #tpu.memory_space<semaphore_mem>>, %arg14: memref<!tpu.dma_semaphore, #tpu.memory_space<semaphore_mem>>, %arg15: memref<!tpu.dma_semaphore, #tpu.memory_space<semaphore_mem>>) attributes {dimension_semantics = [#tpu.dimension_semantics<core_parallel>, #tpu.dimension_semantics<subcore_parallel>], iteration_bounds = array<i64: 2, 16>, scalar_prefetch = 0 : i64, scratch_operands = 9 : i64, tpu.core_type = #tpu.core_type<sc_vector_subcore>, window_params = [{transform_indices = #map}, {transform_indices = #map1}, {transform_indices = #map1}, {transform_indices = #map1}, {transform_indices = #map1}]} {
    %mul3A = arith.constant 2 : i32
    %mul3A_0 = arith.muli %arg1, %mul3A : i32
    %add3A = arith.addi %mul3A_0, %arg0 : i32
    %mul3A_1 = arith.constant 1600 : i32
    %mul3A_2 = arith.muli %add3A, %mul3A_1 : i32
    "tpu.region"() ({
      %run_scoped3A = tpu.sem_alloc : memref<!tpu.dma_semaphore, #tpu.memory_space<semaphore_mem>>
      %dma_start3A_94 = tpu.memref_slice %arg2[%mul3A_2] : memref<51200xi32, #tpu.memory_space<hbm>> -> memref<1600xi32, #tpu.memory_space<hbm>>
      %dma_start3A_95 = tpu.memref_slice %arg2[%mul3A_2] : memref<51200xi32, #tpu.memory_space<hbm>> -> memref<1600xi32, #tpu.memory_space<hbm>>
      tpu.enqueue_dma source(%dma_start3A_95 : memref<1600xi32, #tpu.memory_space<hbm>>) target(%arg7 : memref<1600xi32, #tpu.memory_space<vmem>>) target_semaphore(%run_scoped3A : memref<!tpu.dma_semaphore, #tpu.memory_space<semaphore_mem>>)
      %dma_wait3A_96 = tpu.memref_slice %arg2[%mul3A_2] : memref<51200xi32, #tpu.memory_space<hbm>> -> memref<1600xi32, #tpu.memory_space<hbm>>
      %dma_wait3A_97 = tpu.memref_slice %arg2[%mul3A_2] : memref<51200xi32, #tpu.memory_space<hbm>> -> memref<1600xi32, #tpu.memory_space<hbm>>
      tpu.wait_dma2 semaphore(%run_scoped3A : memref<!tpu.dma_semaphore, #tpu.memory_space<semaphore_mem>>) src(%dma_wait3A_97 : memref<1600xi32, #tpu.memory_space<hbm>>) dst(%arg7 : memref<1600xi32, #tpu.memory_space<vmem>>)
      tpu.yield
    }) : () -> ()
    %dma_start3A = arith.constant 0 : i32
    %dma_start3A_3 = tpu.memref_slice %arg7[%dma_start3A] : memref<1600xi32, #tpu.memory_space<vmem>> -> memref<80xi32, #tpu.memory_space<vmem>>
    %dma_start3A_4 = arith.constant 0 : i32
    %dma_start3A_5 = arith.constant 0 : i32
    %dma_start3A_6 = tpu.memref_slice %arg3[%dma_start3A_4, %dma_start3A_5] : memref<100000x512xi32, #tpu.memory_space<hbm>> -> memref<100000x512xi32, #tpu.memory_space<hbm>>
    tpu.enqueue_indirect_dma source(%dma_start3A_6 : memref<100000x512xi32, #tpu.memory_space<hbm>>) target(%arg8 : memref<80x512xi32, #tpu.memory_space<vmem>>) offsets(%dma_start3A_3 : memref<80xi32, #tpu.memory_space<vmem>>) semaphore(%arg12 : memref<!tpu.dma_semaphore, #tpu.memory_space<semaphore_mem>>)
    %dma_start3A_7 = arith.constant 0 : i32
    %dma_start3A_8 = tpu.memref_slice %arg7[%dma_start3A_7] : memref<1600xi32, #tpu.memory_space<vmem>> -> memref<80xi32, #tpu.memory_space<vmem>>
    %dma_start3A_9 = arith.constant 0 : i32
    %dma_start3A_10 = arith.constant 0 : i32
    %dma_start3A_11 = tpu.memref_slice %arg4[%dma_start3A_9, %dma_start3A_10] : memref<100000x128xf32, #tpu.memory_space<hbm>> -> memref<100000x128xf32, #tpu.memory_space<hbm>>
    tpu.enqueue_indirect_dma source(%dma_start3A_11 : memref<100000x128xf32, #tpu.memory_space<hbm>>) target(%arg10 : memref<80x128xf32, #tpu.memory_space<vmem>>) offsets(%dma_start3A_8 : memref<80xi32, #tpu.memory_space<vmem>>) semaphore(%arg12 : memref<!tpu.dma_semaphore, #tpu.memory_space<semaphore_mem>>)
    %dma_start3A_12 = arith.constant 80 : i32
    %dma_start3A_13 = tpu.memref_slice %arg7[%dma_start3A_12] : memref<1600xi32, #tpu.memory_space<vmem>> -> memref<80xi32, #tpu.memory_space<vmem>>
    %dma_start3A_14 = arith.constant 0 : i32
    %dma_start3A_15 = arith.constant 0 : i32
    %dma_start3A_16 = tpu.memref_slice %arg3[%dma_start3A_14, %dma_start3A_15] : memref<100000x512xi32, #tpu.memory_space<hbm>> -> memref<100000x512xi32, #tpu.memory_space<hbm>>
    tpu.enqueue_indirect_dma source(%dma_start3A_16 : memref<100000x512xi32, #tpu.memory_space<hbm>>) target(%arg9 : memref<80x512xi32, #tpu.memory_space<vmem>>) offsets(%dma_start3A_13 : memref<80xi32, #tpu.memory_space<vmem>>) semaphore(%arg13 : memref<!tpu.dma_semaphore, #tpu.memory_space<semaphore_mem>>)
    %dma_start3A_17 = arith.constant 80 : i32
    %dma_start3A_18 = tpu.memref_slice %arg7[%dma_start3A_17] : memref<1600xi32, #tpu.memory_space<vmem>> -> memref<80xi32, #tpu.memory_space<vmem>>
    %dma_start3A_19 = arith.constant 0 : i32
    %dma_start3A_20 = arith.constant 0 : i32
    %dma_start3A_21 = tpu.memref_slice %arg4[%dma_start3A_19, %dma_start3A_20] : memref<100000x128xf32, #tpu.memory_space<hbm>> -> memref<100000x128xf32, #tpu.memory_space<hbm>>
    tpu.enqueue_indirect_dma source(%dma_start3A_21 : memref<100000x128xf32, #tpu.memory_space<hbm>>) target(%arg11 : memref<80x128xf32, #tpu.memory_space<vmem>>) offsets(%dma_start3A_18 : memref<80xi32, #tpu.memory_space<vmem>>) semaphore(%arg13 : memref<!tpu.dma_semaphore, #tpu.memory_space<semaphore_mem>>)
    %scan3A = arith.constant 0 : i32
    %scan3A_22 = arith.constant 0 : i32
    %scan3A_23 = arith.constant 9 : i32
    %scan3A_24 = arith.addi %scan3A_22, %scan3A_23 : i32
    %scan3A_25 = arith.constant 1 : i32
    scf.for %scan3A_94 = %scan3A_22 to %scan3A_24 step %scan3A_25  : i32 {
      %mul3A_95 = arith.constant 2 : i32
      %mul3A_96 = arith.muli %mul3A_95, %scan3A_94 : i32
      %add3A_97 = arith.constant 0 : i32
      %add3A_98 = arith.addi %mul3A_96, %add3A_97 : i32
      %mul3A_99 = arith.constant 80 : i32
      %mul3A_100 = arith.muli %add3A_98, %mul3A_99 : i32
      %dma_wait3A_101 = tpu.memref_slice %arg7[%mul3A_100] : memref<1600xi32, #tpu.memory_space<vmem>> -> memref<80xi32, #tpu.memory_space<vmem>>
      %dma_wait3A_102 = arith.constant 0 : i32
      %dma_wait3A_103 = arith.constant 0 : i32
      %dma_wait3A_104 = tpu.memref_slice %arg3[%dma_wait3A_102, %dma_wait3A_103] : memref<100000x512xi32, #tpu.memory_space<hbm>> -> memref<100000x512xi32, #tpu.memory_space<hbm>>
      tpu.wait_indirect_dma semaphore(%arg12 : memref<!tpu.dma_semaphore, #tpu.memory_space<semaphore_mem>>) src(%dma_wait3A_104 : memref<100000x512xi32, #tpu.memory_space<hbm>>) dst(%arg8 : memref<80x512xi32, #tpu.memory_space<vmem>>)
      %mul3A_105 = arith.constant 80 : i32
      %mul3A_106 = arith.muli %add3A_98, %mul3A_105 : i32
      %dma_wait3A_107 = tpu.memref_slice %arg7[%mul3A_106] : memref<1600xi32, #tpu.memory_space<vmem>> -> memref<80xi32, #tpu.memory_space<vmem>>
      %dma_wait3A_108 = arith.constant 0 : i32
      %dma_wait3A_109 = arith.constant 0 : i32
      %dma_wait3A_110 = tpu.memref_slice %arg4[%dma_wait3A_108, %dma_wait3A_109] : memref<100000x128xf32, #tpu.memory_space<hbm>> -> memref<100000x128xf32, #tpu.memory_space<hbm>>
      tpu.wait_indirect_dma semaphore(%arg12 : memref<!tpu.dma_semaphore, #tpu.memory_space<semaphore_mem>>) src(%dma_wait3A_110 : memref<100000x128xf32, #tpu.memory_space<hbm>>) dst(%arg10 : memref<80x128xf32, #tpu.memory_space<vmem>>)
      %mul3A_111 = arith.constant 80 : i32
      %mul3A_112 = arith.muli %add3A_98, %mul3A_111 : i32
      %add3A_113 = arith.addi %mul3A_2, %mul3A_112 : i32
      %dma_start3A_114 = arith.constant 0 : i32
      %dma_start3A_115 = tpu.memref_slice %arg5[%add3A_113, %dma_start3A_114] : memref<51200x512xi32, #tpu.memory_space<hbm>> -> memref<80x512xi32, #tpu.memory_space<hbm>>
      %dma_start3A_116 = arith.constant 0 : i32
      %dma_start3A_117 = tpu.memref_slice %arg5[%add3A_113, %dma_start3A_116] : memref<51200x512xi32, #tpu.memory_space<hbm>> -> memref<80x512xi32, #tpu.memory_space<hbm>>
      tpu.enqueue_dma source(%arg8 : memref<80x512xi32, #tpu.memory_space<vmem>>) target(%dma_start3A_117 : memref<80x512xi32, #tpu.memory_space<hbm>>) target_semaphore(%arg14 : memref<!tpu.dma_semaphore, #tpu.memory_space<semaphore_mem>>)
      %mul3A_118 = arith.constant 80 : i32
      %mul3A_119 = arith.muli %add3A_98, %mul3A_118 : i32
      %add3A_120 = arith.addi %mul3A_2, %mul3A_119 : i32
      %dma_start3A_121 = arith.constant 0 : i32
      %dma_start3A_122 = tpu.memref_slice %arg6[%add3A_120, %dma_start3A_121] : memref<51200x128xf32, #tpu.memory_space<hbm>> -> memref<80x128xf32, #tpu.memory_space<hbm>>
      %dma_start3A_123 = arith.constant 0 : i32
      %dma_start3A_124 = tpu.memref_slice %arg6[%add3A_120, %dma_start3A_123] : memref<51200x128xf32, #tpu.memory_space<hbm>> -> memref<80x128xf32, #tpu.memory_space<hbm>>
      tpu.enqueue_dma source(%arg10 : memref<80x128xf32, #tpu.memory_space<vmem>>) target(%dma_start3A_124 : memref<80x128xf32, #tpu.memory_space<hbm>>) target_semaphore(%arg14 : memref<!tpu.dma_semaphore, #tpu.memory_space<semaphore_mem>>)
      %add3A_125 = arith.constant 1 : i32
      %add3A_126 = arith.addi %mul3A_96, %add3A_125 : i32
      %mul3A_127 = arith.constant 80 : i32
      %mul3A_128 = arith.muli %add3A_126, %mul3A_127 : i32
      %dma_wait3A_129 = tpu.memref_slice %arg7[%mul3A_128] : memref<1600xi32, #tpu.memory_space<vmem>> -> memref<80xi32, #tpu.memory_space<vmem>>
      %dma_wait3A_130 = arith.constant 0 : i32
      %dma_wait3A_131 = arith.constant 0 : i32
      %dma_wait3A_132 = tpu.memref_slice %arg3[%dma_wait3A_130, %dma_wait3A_131] : memref<100000x512xi32, #tpu.memory_space<hbm>> -> memref<100000x512xi32, #tpu.memory_space<hbm>>
      tpu.wait_indirect_dma semaphore(%arg13 : memref<!tpu.dma_semaphore, #tpu.memory_space<semaphore_mem>>) src(%dma_wait3A_132 : memref<100000x512xi32, #tpu.memory_space<hbm>>) dst(%arg9 : memref<80x512xi32, #tpu.memory_space<vmem>>)
      %mul3A_133 = arith.constant 80 : i32
      %mul3A_134 = arith.muli %add3A_126, %mul3A_133 : i32
      %dma_wait3A_135 = tpu.memref_slice %arg7[%mul3A_134] : memref<1600xi32, #tpu.memory_space<vmem>> -> memref<80xi32, #tpu.memory_space<vmem>>
      %dma_wait3A_136 = arith.constant 0 : i32
      %dma_wait3A_137 = arith.constant 0 : i32
      %dma_wait3A_138 = tpu.memref_slice %arg4[%dma_wait3A_136, %dma_wait3A_137] : memref<100000x128xf32, #tpu.memory_space<hbm>> -> memref<100000x128xf32, #tpu.memory_space<hbm>>
      tpu.wait_indirect_dma semaphore(%arg13 : memref<!tpu.dma_semaphore, #tpu.memory_space<semaphore_mem>>) src(%dma_wait3A_138 : memref<100000x128xf32, #tpu.memory_space<hbm>>) dst(%arg11 : memref<80x128xf32, #tpu.memory_space<vmem>>)
      %mul3A_139 = arith.constant 80 : i32
      %mul3A_140 = arith.muli %add3A_126, %mul3A_139 : i32
      %add3A_141 = arith.addi %mul3A_2, %mul3A_140 : i32
      %dma_start3A_142 = arith.constant 0 : i32
      %dma_start3A_143 = tpu.memref_slice %arg5[%add3A_141, %dma_start3A_142] : memref<51200x512xi32, #tpu.memory_space<hbm>> -> memref<80x512xi32, #tpu.memory_space<hbm>>
      %dma_start3A_144 = arith.constant 0 : i32
      %dma_start3A_145 = tpu.memref_slice %arg5[%add3A_141, %dma_start3A_144] : memref<51200x512xi32, #tpu.memory_space<hbm>> -> memref<80x512xi32, #tpu.memory_space<hbm>>
      tpu.enqueue_dma source(%arg9 : memref<80x512xi32, #tpu.memory_space<vmem>>) target(%dma_start3A_145 : memref<80x512xi32, #tpu.memory_space<hbm>>) target_semaphore(%arg15 : memref<!tpu.dma_semaphore, #tpu.memory_space<semaphore_mem>>)
      %mul3A_146 = arith.constant 80 : i32
      %mul3A_147 = arith.muli %add3A_126, %mul3A_146 : i32
      %add3A_148 = arith.addi %mul3A_2, %mul3A_147 : i32
      %dma_start3A_149 = arith.constant 0 : i32
      %dma_start3A_150 = tpu.memref_slice %arg6[%add3A_148, %dma_start3A_149] : memref<51200x128xf32, #tpu.memory_space<hbm>> -> memref<80x128xf32, #tpu.memory_space<hbm>>
      %dma_start3A_151 = arith.constant 0 : i32
      %dma_start3A_152 = tpu.memref_slice %arg6[%add3A_148, %dma_start3A_151] : memref<51200x128xf32, #tpu.memory_space<hbm>> -> memref<80x128xf32, #tpu.memory_space<hbm>>
      tpu.enqueue_dma source(%arg11 : memref<80x128xf32, #tpu.memory_space<vmem>>) target(%dma_start3A_152 : memref<80x128xf32, #tpu.memory_space<hbm>>) target_semaphore(%arg15 : memref<!tpu.dma_semaphore, #tpu.memory_space<semaphore_mem>>)
      %add3A_153 = arith.constant 0 : i32
      %add3A_154 = arith.addi %mul3A_96, %add3A_153 : i32
      %mul3A_155 = arith.constant 80 : i32
      %mul3A_156 = arith.muli %add3A_154, %mul3A_155 : i32
      %add3A_157 = arith.addi %mul3A_2, %mul3A_156 : i32
      %dma_wait3A_158 = arith.constant 0 : i32
      %dma_wait3A_159 = tpu.memref_slice %arg5[%add3A_157, %dma_wait3A_158] : memref<51200x512xi32, #tpu.memory_space<hbm>> -> memref<80x512xi32, #tpu.memory_space<hbm>>
      %dma_wait3A_160 = arith.constant 0 : i32
      %dma_wait3A_161 = tpu.memref_slice %arg5[%add3A_157, %dma_wait3A_160] : memref<51200x512xi32, #tpu.memory_space<hbm>> -> memref<80x512xi32, #tpu.memory_space<hbm>>
      tpu.wait_dma2 semaphore(%arg14 : memref<!tpu.dma_semaphore, #tpu.memory_space<semaphore_mem>>) src(%arg8 : memref<80x512xi32, #tpu.memory_space<vmem>>) dst(%dma_wait3A_161 : memref<80x512xi32, #tpu.memory_space<hbm>>)
      %mul3A_162 = arith.constant 80 : i32
      %mul3A_163 = arith.muli %add3A_154, %mul3A_162 : i32
      %add3A_164 = arith.addi %mul3A_2, %mul3A_163 : i32
      %dma_wait3A_165 = arith.constant 0 : i32
      %dma_wait3A_166 = tpu.memref_slice %arg6[%add3A_164, %dma_wait3A_165] : memref<51200x128xf32, #tpu.memory_space<hbm>> -> memref<80x128xf32, #tpu.memory_space<hbm>>
      %dma_wait3A_167 = arith.constant 0 : i32
      %dma_wait3A_168 = tpu.memref_slice %arg6[%add3A_164, %dma_wait3A_167] : memref<51200x128xf32, #tpu.memory_space<hbm>> -> memref<80x128xf32, #tpu.memory_space<hbm>>
      tpu.wait_dma2 semaphore(%arg14 : memref<!tpu.dma_semaphore, #tpu.memory_space<semaphore_mem>>) src(%arg10 : memref<80x128xf32, #tpu.memory_space<vmem>>) dst(%dma_wait3A_168 : memref<80x128xf32, #tpu.memory_space<hbm>>)
      %add3A_169 = arith.constant 2 : i32
      %add3A_170 = arith.addi %add3A_154, %add3A_169 : i32
      %mul3A_171 = arith.constant 80 : i32
      %mul3A_172 = arith.muli %add3A_170, %mul3A_171 : i32
      %dma_start3A_173 = tpu.memref_slice %arg7[%mul3A_172] : memref<1600xi32, #tpu.memory_space<vmem>> -> memref<80xi32, #tpu.memory_space<vmem>>
      %dma_start3A_174 = arith.constant 0 : i32
      %dma_start3A_175 = arith.constant 0 : i32
      %dma_start3A_176 = tpu.memref_slice %arg3[%dma_start3A_174, %dma_start3A_175] : memref<100000x512xi32, #tpu.memory_space<hbm>> -> memref<100000x512xi32, #tpu.memory_space<hbm>>
      tpu.enqueue_indirect_dma source(%dma_start3A_176 : memref<100000x512xi32, #tpu.memory_space<hbm>>) target(%arg8 : memref<80x512xi32, #tpu.memory_space<vmem>>) offsets(%dma_start3A_173 : memref<80xi32, #tpu.memory_space<vmem>>) semaphore(%arg12 : memref<!tpu.dma_semaphore, #tpu.memory_space<semaphore_mem>>)
      %mul3A_177 = arith.constant 80 : i32
      %mul3A_178 = arith.muli %add3A_170, %mul3A_177 : i32
      %dma_start3A_179 = tpu.memref_slice %arg7[%mul3A_178] : memref<1600xi32, #tpu.memory_space<vmem>> -> memref<80xi32, #tpu.memory_space<vmem>>
      %dma_start3A_180 = arith.constant 0 : i32
      %dma_start3A_181 = arith.constant 0 : i32
      %dma_start3A_182 = tpu.memref_slice %arg4[%dma_start3A_180, %dma_start3A_181] : memref<100000x128xf32, #tpu.memory_space<hbm>> -> memref<100000x128xf32, #tpu.memory_space<hbm>>
      tpu.enqueue_indirect_dma source(%dma_start3A_182 : memref<100000x128xf32, #tpu.memory_space<hbm>>) target(%arg10 : memref<80x128xf32, #tpu.memory_space<vmem>>) offsets(%dma_start3A_179 : memref<80xi32, #tpu.memory_space<vmem>>) semaphore(%arg12 : memref<!tpu.dma_semaphore, #tpu.memory_space<semaphore_mem>>)
      %add3A_183 = arith.constant 1 : i32
      %add3A_184 = arith.addi %mul3A_96, %add3A_183 : i32
      %mul3A_185 = arith.constant 80 : i32
      %mul3A_186 = arith.muli %add3A_184, %mul3A_185 : i32
      %add3A_187 = arith.addi %mul3A_2, %mul3A_186 : i32
      %dma_wait3A_188 = arith.constant 0 : i32
      %dma_wait3A_189 = tpu.memref_slice %arg5[%add3A_187, %dma_wait3A_188] : memref<51200x512xi32, #tpu.memory_space<hbm>> -> memref<80x512xi32, #tpu.memory_space<hbm>>
      %dma_wait3A_190 = arith.constant 0 : i32
      %dma_wait3A_191 = tpu.memref_slice %arg5[%add3A_187, %dma_wait3A_190] : memref<51200x512xi32, #tpu.memory_space<hbm>> -> memref<80x512xi32, #tpu.memory_space<hbm>>
      tpu.wait_dma2 semaphore(%arg15 : memref<!tpu.dma_semaphore, #tpu.memory_space<semaphore_mem>>) src(%arg9 : memref<80x512xi32, #tpu.memory_space<vmem>>) dst(%dma_wait3A_191 : memref<80x512xi32, #tpu.memory_space<hbm>>)
      %mul3A_192 = arith.constant 80 : i32
      %mul3A_193 = arith.muli %add3A_184, %mul3A_192 : i32
      %add3A_194 = arith.addi %mul3A_2, %mul3A_193 : i32
      %dma_wait3A_195 = arith.constant 0 : i32
      %dma_wait3A_196 = tpu.memref_slice %arg6[%add3A_194, %dma_wait3A_195] : memref<51200x128xf32, #tpu.memory_space<hbm>> -> memref<80x128xf32, #tpu.memory_space<hbm>>
      %dma_wait3A_197 = arith.constant 0 : i32
      %dma_wait3A_198 = tpu.memref_slice %arg6[%add3A_194, %dma_wait3A_197] : memref<51200x128xf32, #tpu.memory_space<hbm>> -> memref<80x128xf32, #tpu.memory_space<hbm>>
      tpu.wait_dma2 semaphore(%arg15 : memref<!tpu.dma_semaphore, #tpu.memory_space<semaphore_mem>>) src(%arg11 : memref<80x128xf32, #tpu.memory_space<vmem>>) dst(%dma_wait3A_198 : memref<80x128xf32, #tpu.memory_space<hbm>>)
      %add3A_199 = arith.constant 2 : i32
      %add3A_200 = arith.addi %add3A_184, %add3A_199 : i32
      %mul3A_201 = arith.constant 80 : i32
      %mul3A_202 = arith.muli %add3A_200, %mul3A_201 : i32
      %dma_start3A_203 = tpu.memref_slice %arg7[%mul3A_202] : memref<1600xi32, #tpu.memory_space<vmem>> -> memref<80xi32, #tpu.memory_space<vmem>>
      %dma_start3A_204 = arith.constant 0 : i32
      %dma_start3A_205 = arith.constant 0 : i32
      %dma_start3A_206 = tpu.memref_slice %arg3[%dma_start3A_204, %dma_start3A_205] : memref<100000x512xi32, #tpu.memory_space<hbm>> -> memref<100000x512xi32, #tpu.memory_space<hbm>>
      tpu.enqueue_indirect_dma source(%dma_start3A_206 : memref<100000x512xi32, #tpu.memory_space<hbm>>) target(%arg9 : memref<80x512xi32, #tpu.memory_space<vmem>>) offsets(%dma_start3A_203 : memref<80xi32, #tpu.memory_space<vmem>>) semaphore(%arg13 : memref<!tpu.dma_semaphore, #tpu.memory_space<semaphore_mem>>)
      %mul3A_207 = arith.constant 80 : i32
      %mul3A_208 = arith.muli %add3A_200, %mul3A_207 : i32
      %dma_start3A_209 = tpu.memref_slice %arg7[%mul3A_208] : memref<1600xi32, #tpu.memory_space<vmem>> -> memref<80xi32, #tpu.memory_space<vmem>>
      %dma_start3A_210 = arith.constant 0 : i32
      %dma_start3A_211 = arith.constant 0 : i32
      %dma_start3A_212 = tpu.memref_slice %arg4[%dma_start3A_210, %dma_start3A_211] : memref<100000x128xf32, #tpu.memory_space<hbm>> -> memref<100000x128xf32, #tpu.memory_space<hbm>>
      tpu.enqueue_indirect_dma source(%dma_start3A_212 : memref<100000x128xf32, #tpu.memory_space<hbm>>) target(%arg11 : memref<80x128xf32, #tpu.memory_space<vmem>>) offsets(%dma_start3A_209 : memref<80xi32, #tpu.memory_space<vmem>>) semaphore(%arg13 : memref<!tpu.dma_semaphore, #tpu.memory_space<semaphore_mem>>)
    }
    %scan3A_26 = arith.constant 9 : i32
    %dma_wait3A = arith.constant 1440 : i32
    %dma_wait3A_27 = tpu.memref_slice %arg7[%dma_wait3A] : memref<1600xi32, #tpu.memory_space<vmem>> -> memref<80xi32, #tpu.memory_space<vmem>>
    %dma_wait3A_28 = arith.constant 0 : i32
    %dma_wait3A_29 = arith.constant 0 : i32
    %dma_wait3A_30 = tpu.memref_slice %arg3[%dma_wait3A_28, %dma_wait3A_29] : memref<100000x512xi32, #tpu.memory_space<hbm>> -> memref<100000x512xi32, #tpu.memory_space<hbm>>
    tpu.wait_indirect_dma semaphore(%arg12 : memref<!tpu.dma_semaphore, #tpu.memory_space<semaphore_mem>>) src(%dma_wait3A_30 : memref<100000x512xi32, #tpu.memory_space<hbm>>) dst(%arg8 : memref<80x512xi32, #tpu.memory_space<vmem>>)
    %dma_wait3A_31 = arith.constant 1440 : i32
    %dma_wait3A_32 = tpu.memref_slice %arg7[%dma_wait3A_31] : memref<1600xi32, #tpu.memory_space<vmem>> -> memref<80xi32, #tpu.memory_space<vmem>>
    %dma_wait3A_33 = arith.constant 0 : i32
    %dma_wait3A_34 = arith.constant 0 : i32
    %dma_wait3A_35 = tpu.memref_slice %arg4[%dma_wait3A_33, %dma_wait3A_34] : memref<100000x128xf32, #tpu.memory_space<hbm>> -> memref<100000x128xf32, #tpu.memory_space<hbm>>
    tpu.wait_indirect_dma semaphore(%arg12 : memref<!tpu.dma_semaphore, #tpu.memory_space<semaphore_mem>>) src(%dma_wait3A_35 : memref<100000x128xf32, #tpu.memory_space<hbm>>) dst(%arg10 : memref<80x128xf32, #tpu.memory_space<vmem>>)
    %add3A_36 = arith.constant 1440 : i32
    %add3A_37 = arith.addi %mul3A_2, %add3A_36 : i32
    %dma_start3A_38 = arith.constant 0 : i32
    %dma_start3A_39 = tpu.memref_slice %arg5[%add3A_37, %dma_start3A_38] : memref<51200x512xi32, #tpu.memory_space<hbm>> -> memref<80x512xi32, #tpu.memory_space<hbm>>
    %dma_start3A_40 = arith.constant 0 : i32
    %dma_start3A_41 = tpu.memref_slice %arg5[%add3A_37, %dma_start3A_40] : memref<51200x512xi32, #tpu.memory_space<hbm>> -> memref<80x512xi32, #tpu.memory_space<hbm>>
    tpu.enqueue_dma source(%arg8 : memref<80x512xi32, #tpu.memory_space<vmem>>) target(%dma_start3A_41 : memref<80x512xi32, #tpu.memory_space<hbm>>) target_semaphore(%arg14 : memref<!tpu.dma_semaphore, #tpu.memory_space<semaphore_mem>>)
    %add3A_42 = arith.constant 1440 : i32
    %add3A_43 = arith.addi %mul3A_2, %add3A_42 : i32
    %dma_start3A_44 = arith.constant 0 : i32
    %dma_start3A_45 = tpu.memref_slice %arg6[%add3A_43, %dma_start3A_44] : memref<51200x128xf32, #tpu.memory_space<hbm>> -> memref<80x128xf32, #tpu.memory_space<hbm>>
    %dma_start3A_46 = arith.constant 0 : i32
    %dma_start3A_47 = tpu.memref_slice %arg6[%add3A_43, %dma_start3A_46] : memref<51200x128xf32, #tpu.memory_space<hbm>> -> memref<80x128xf32, #tpu.memory_space<hbm>>
    tpu.enqueue_dma source(%arg10 : memref<80x128xf32, #tpu.memory_space<vmem>>) target(%dma_start3A_47 : memref<80x128xf32, #tpu.memory_space<hbm>>) target_semaphore(%arg14 : memref<!tpu.dma_semaphore, #tpu.memory_space<semaphore_mem>>)
    %dma_wait3A_48 = arith.constant 1520 : i32
    %dma_wait3A_49 = tpu.memref_slice %arg7[%dma_wait3A_48] : memref<1600xi32, #tpu.memory_space<vmem>> -> memref<80xi32, #tpu.memory_space<vmem>>
    %dma_wait3A_50 = arith.constant 0 : i32
    %dma_wait3A_51 = arith.constant 0 : i32
    %dma_wait3A_52 = tpu.memref_slice %arg3[%dma_wait3A_50, %dma_wait3A_51] : memref<100000x512xi32, #tpu.memory_space<hbm>> -> memref<100000x512xi32, #tpu.memory_space<hbm>>
    tpu.wait_indirect_dma semaphore(%arg13 : memref<!tpu.dma_semaphore, #tpu.memory_space<semaphore_mem>>) src(%dma_wait3A_52 : memref<100000x512xi32, #tpu.memory_space<hbm>>) dst(%arg9 : memref<80x512xi32, #tpu.memory_space<vmem>>)
    %dma_wait3A_53 = arith.constant 1520 : i32
    %dma_wait3A_54 = tpu.memref_slice %arg7[%dma_wait3A_53] : memref<1600xi32, #tpu.memory_space<vmem>> -> memref<80xi32, #tpu.memory_space<vmem>>
    %dma_wait3A_55 = arith.constant 0 : i32
    %dma_wait3A_56 = arith.constant 0 : i32
    %dma_wait3A_57 = tpu.memref_slice %arg4[%dma_wait3A_55, %dma_wait3A_56] : memref<100000x128xf32, #tpu.memory_space<hbm>> -> memref<100000x128xf32, #tpu.memory_space<hbm>>
    tpu.wait_indirect_dma semaphore(%arg13 : memref<!tpu.dma_semaphore, #tpu.memory_space<semaphore_mem>>) src(%dma_wait3A_57 : memref<100000x128xf32, #tpu.memory_space<hbm>>) dst(%arg11 : memref<80x128xf32, #tpu.memory_space<vmem>>)
    %add3A_58 = arith.constant 1520 : i32
    %add3A_59 = arith.addi %mul3A_2, %add3A_58 : i32
    %dma_start3A_60 = arith.constant 0 : i32
    %dma_start3A_61 = tpu.memref_slice %arg5[%add3A_59, %dma_start3A_60] : memref<51200x512xi32, #tpu.memory_space<hbm>> -> memref<80x512xi32, #tpu.memory_space<hbm>>
    %dma_start3A_62 = arith.constant 0 : i32
    %dma_start3A_63 = tpu.memref_slice %arg5[%add3A_59, %dma_start3A_62] : memref<51200x512xi32, #tpu.memory_space<hbm>> -> memref<80x512xi32, #tpu.memory_space<hbm>>
    tpu.enqueue_dma source(%arg9 : memref<80x512xi32, #tpu.memory_space<vmem>>) target(%dma_start3A_63 : memref<80x512xi32, #tpu.memory_space<hbm>>) target_semaphore(%arg15 : memref<!tpu.dma_semaphore, #tpu.memory_space<semaphore_mem>>)
    %add3A_64 = arith.constant 1520 : i32
    %add3A_65 = arith.addi %mul3A_2, %add3A_64 : i32
    %dma_start3A_66 = arith.constant 0 : i32
    %dma_start3A_67 = tpu.memref_slice %arg6[%add3A_65, %dma_start3A_66] : memref<51200x128xf32, #tpu.memory_space<hbm>> -> memref<80x128xf32, #tpu.memory_space<hbm>>
    %dma_start3A_68 = arith.constant 0 : i32
    %dma_start3A_69 = tpu.memref_slice %arg6[%add3A_65, %dma_start3A_68] : memref<51200x128xf32, #tpu.memory_space<hbm>> -> memref<80x128xf32, #tpu.memory_space<hbm>>
    tpu.enqueue_dma source(%arg11 : memref<80x128xf32, #tpu.memory_space<vmem>>) target(%dma_start3A_69 : memref<80x128xf32, #tpu.memory_space<hbm>>) target_semaphore(%arg15 : memref<!tpu.dma_semaphore, #tpu.memory_space<semaphore_mem>>)
    %add3A_70 = arith.constant 1440 : i32
    %add3A_71 = arith.addi %mul3A_2, %add3A_70 : i32
    %dma_wait3A_72 = arith.constant 0 : i32
    %dma_wait3A_73 = tpu.memref_slice %arg5[%add3A_71, %dma_wait3A_72] : memref<51200x512xi32, #tpu.memory_space<hbm>> -> memref<80x512xi32, #tpu.memory_space<hbm>>
    %dma_wait3A_74 = arith.constant 0 : i32
    %dma_wait3A_75 = tpu.memref_slice %arg5[%add3A_71, %dma_wait3A_74] : memref<51200x512xi32, #tpu.memory_space<hbm>> -> memref<80x512xi32, #tpu.memory_space<hbm>>
    tpu.wait_dma2 semaphore(%arg14 : memref<!tpu.dma_semaphore, #tpu.memory_space<semaphore_mem>>) src(%arg8 : memref<80x512xi32, #tpu.memory_space<vmem>>) dst(%dma_wait3A_75 : memref<80x512xi32, #tpu.memory_space<hbm>>)
    %add3A_76 = arith.constant 1440 : i32
    %add3A_77 = arith.addi %mul3A_2, %add3A_76 : i32
    %dma_wait3A_78 = arith.constant 0 : i32
    %dma_wait3A_79 = tpu.memref_slice %arg6[%add3A_77, %dma_wait3A_78] : memref<51200x128xf32, #tpu.memory_space<hbm>> -> memref<80x128xf32, #tpu.memory_space<hbm>>
    %dma_wait3A_80 = arith.constant 0 : i32
    %dma_wait3A_81 = tpu.memref_slice %arg6[%add3A_77, %dma_wait3A_80] : memref<51200x128xf32, #tpu.memory_space<hbm>> -> memref<80x128xf32, #tpu.memory_space<hbm>>
    tpu.wait_dma2 semaphore(%arg14 : memref<!tpu.dma_semaphore, #tpu.memory_space<semaphore_mem>>) src(%arg10 : memref<80x128xf32, #tpu.memory_space<vmem>>) dst(%dma_wait3A_81 : memref<80x128xf32, #tpu.memory_space<hbm>>)
    %add3A_82 = arith.constant 1520 : i32
    %add3A_83 = arith.addi %mul3A_2, %add3A_82 : i32
    %dma_wait3A_84 = arith.constant 0 : i32
    %dma_wait3A_85 = tpu.memref_slice %arg5[%add3A_83, %dma_wait3A_84] : memref<51200x512xi32, #tpu.memory_space<hbm>> -> memref<80x512xi32, #tpu.memory_space<hbm>>
    %dma_wait3A_86 = arith.constant 0 : i32
    %dma_wait3A_87 = tpu.memref_slice %arg5[%add3A_83, %dma_wait3A_86] : memref<51200x512xi32, #tpu.memory_space<hbm>> -> memref<80x512xi32, #tpu.memory_space<hbm>>
    tpu.wait_dma2 semaphore(%arg15 : memref<!tpu.dma_semaphore, #tpu.memory_space<semaphore_mem>>) src(%arg9 : memref<80x512xi32, #tpu.memory_space<vmem>>) dst(%dma_wait3A_87 : memref<80x512xi32, #tpu.memory_space<hbm>>)
    %add3A_88 = arith.constant 1520 : i32
    %add3A_89 = arith.addi %mul3A_2, %add3A_88 : i32
    %dma_wait3A_90 = arith.constant 0 : i32
    %dma_wait3A_91 = tpu.memref_slice %arg6[%add3A_89, %dma_wait3A_90] : memref<51200x128xf32, #tpu.memory_space<hbm>> -> memref<80x128xf32, #tpu.memory_space<hbm>>
    %dma_wait3A_92 = arith.constant 0 : i32
    %dma_wait3A_93 = tpu.memref_slice %arg6[%add3A_89, %dma_wait3A_92] : memref<51200x128xf32, #tpu.memory_space<hbm>> -> memref<80x128xf32, #tpu.memory_space<hbm>>
    tpu.wait_dma2 semaphore(%arg15 : memref<!tpu.dma_semaphore, #tpu.memory_space<semaphore_mem>>) src(%arg11 : memref<80x128xf32, #tpu.memory_space<vmem>>) dst(%dma_wait3A_93 : memref<80x128xf32, #tpu.memory_space<hbm>>)
    return
  }
}

module attributes {stable_mosaic.version = 14 : i64} {
  func.func @_pack_body(%arg0: i32, %arg1: memref<800x2048xi8, #tpu.memory_space<vmem>>, %arg2: memref<800x512xi32, #tpu.memory_space<vmem>>) attributes {dimension_semantics = [#tpu.dimension_semantics<arbitrary>], iteration_bounds = array<i64: 125>, scalar_prefetch = 0 : i64, scratch_operands = 0 : i64, tpu.core_type = #tpu.core_type<tc>, window_params = [{transform_indices = @transform_0, window_bounds = array<i64: 800, 2048>}, {transform_indices = @transform_1, window_bounds = array<i64: 800, 512>}]} {
    %get3A = arith.constant 0 : index
    %get3A_0 = arith.constant 0 : index
    %get3A_1 = vector.load %arg1[%get3A, %get3A_0] : memref<800x2048xi8, #tpu.memory_space<vmem>>, vector<800x512xi8>
    %convert_element_type3A = arith.extsi %get3A_1 : vector<800x512xi8> to vector<800x512xi32>
    %and3A = arith.constant 255 : i32
    %and3A_2 = vector.broadcast %and3A : i32 to vector<800x512xi32>
    %and3A_3 = arith.andi %convert_element_type3A, %and3A_2 : vector<800x512xi32>
    %get3A_4 = arith.constant 0 : index
    %get3A_5 = arith.constant 512 : index
    %get3A_6 = vector.load %arg1[%get3A_4, %get3A_5] : memref<800x2048xi8, #tpu.memory_space<vmem>>, vector<800x512xi8>
    %convert_element_type3A_7 = arith.extsi %get3A_6 : vector<800x512xi8> to vector<800x512xi32>
    %and3A_8 = arith.constant 255 : i32
    %and3A_9 = vector.broadcast %and3A_8 : i32 to vector<800x512xi32>
    %and3A_10 = arith.andi %convert_element_type3A_7, %and3A_9 : vector<800x512xi32>
    %get3A_11 = arith.constant 0 : index
    %get3A_12 = arith.constant 1024 : index
    %get3A_13 = vector.load %arg1[%get3A_11, %get3A_12] : memref<800x2048xi8, #tpu.memory_space<vmem>>, vector<800x512xi8>
    %convert_element_type3A_14 = arith.extsi %get3A_13 : vector<800x512xi8> to vector<800x512xi32>
    %and3A_15 = arith.constant 255 : i32
    %and3A_16 = vector.broadcast %and3A_15 : i32 to vector<800x512xi32>
    %and3A_17 = arith.andi %convert_element_type3A_14, %and3A_16 : vector<800x512xi32>
    %get3A_18 = arith.constant 0 : index
    %get3A_19 = arith.constant 1536 : index
    %get3A_20 = vector.load %arg1[%get3A_18, %get3A_19] : memref<800x2048xi8, #tpu.memory_space<vmem>>, vector<800x512xi8>
    %convert_element_type3A_21 = arith.extsi %get3A_20 : vector<800x512xi8> to vector<800x512xi32>
    %and3A_22 = arith.constant 255 : i32
    %and3A_23 = vector.broadcast %and3A_22 : i32 to vector<800x512xi32>
    %and3A_24 = arith.andi %convert_element_type3A_21, %and3A_23 : vector<800x512xi32>
    %shift_left3A = arith.constant 8 : i32
    %shift_left3A_25 = vector.broadcast %shift_left3A : i32 to vector<800x512xi32>
    %shift_left3A_26 = arith.shli %and3A_10, %shift_left3A_25 : vector<800x512xi32>
    %or3A = arith.ori %and3A_3, %shift_left3A_26 : vector<800x512xi32>
    %shift_left3A_27 = arith.constant 16 : i32
    %shift_left3A_28 = vector.broadcast %shift_left3A_27 : i32 to vector<800x512xi32>
    %shift_left3A_29 = arith.shli %and3A_17, %shift_left3A_28 : vector<800x512xi32>
    %or3A_30 = arith.ori %or3A, %shift_left3A_29 : vector<800x512xi32>
    %shift_left3A_31 = arith.constant 24 : i32
    %shift_left3A_32 = vector.broadcast %shift_left3A_31 : i32 to vector<800x512xi32>
    %shift_left3A_33 = arith.shli %and3A_24, %shift_left3A_32 : vector<800x512xi32>
    %or3A_34 = arith.ori %or3A_30, %shift_left3A_33 : vector<800x512xi32>
    %swap3A = arith.constant 0 : index
    %swap3A_35 = arith.constant 0 : index
    %swap3A_36 = vector.load %arg2[%swap3A, %swap3A_35] : memref<800x512xi32, #tpu.memory_space<vmem>>, vector<800x512xi32>
    tpu.vector_store %arg2[%swap3A, %swap3A_35], %or3A_34 {strides = array<i32>} : memref<800x512xi32, #tpu.memory_space<vmem>>, vector<800x512xi32>,
    return
  }
  func.func @transform_0(%arg0: i32) -> (i32, i32) {
    %c0_i32 = arith.constant 0 : i32
    %c0_i32_0 = arith.constant 0 : i32
    return %arg0, %c0_i32 : i32, i32
  }
  func.func @transform_1(%arg0: i32) -> (i32, i32) {
    %c0_i32 = arith.constant 0 : i32
    %c0_i32_0 = arith.constant 0 : i32
    return %arg0, %c0_i32 : i32, i32
  }
}

module attributes {stable_mosaic.version = 14 : i64} {
  func.func @_tc_body(%arg0: i32, %arg1: memref<1xf32, #tpu.memory_space<smem>>, %arg2: memref<1024x512xi32, #tpu.memory_space<vmem>>, %arg3: memref<1024x128xf32, #tpu.memory_space<vmem>>, %arg4: memref<128x2048xf32, #tpu.memory_space<vmem>>, %arg5: memref<1x1024x2048xf32, #tpu.memory_space<vmem>>) attributes {dimension_semantics = [#tpu.dimension_semantics<arbitrary>], iteration_bounds = array<i64: 50>, scalar_prefetch = 0 : i64, scratch_operands = 0 : i64, tpu.core_type = #tpu.core_type<tc>, window_params = [{transform_indices = @transform_0, window_bounds = array<i64: 1>}, {transform_indices = @transform_1, window_bounds = array<i64: 1024, 512>}, {transform_indices = @transform_2, window_bounds = array<i64: 1024, 128>}, {pipeline_mode = #tpu.pipeline_mode<synchronous>, transform_indices = @transform_3, window_bounds = array<i64: 128, 2048>}, {transform_indices = @transform_4, window_bounds = array<i64: 1, 1024, 2048>}]} {
    %get3A = arith.constant 0 : index
    %get3A_0 = memref.load %arg1[%get3A] : memref<1xf32, #tpu.memory_space<smem>>
    %get3A_1 = arith.constant 0 : index
    %get3A_2 = arith.constant 0 : index
    %get3A_3 = vector.load %arg2[%get3A_1, %get3A_2] : memref<1024x512xi32, #tpu.memory_space<vmem>>, vector<1024x512xi32>
    %get3A_4 = arith.constant 0 : index
    %get3A_5 = arith.constant 0 : index
    %get3A_6 = vector.load %arg3[%get3A_4, %get3A_5] : memref<1024x128xf32, #tpu.memory_space<vmem>>, vector<1024x128xf32>
    %get3A_7 = arith.constant 0 : index
    %get3A_8 = arith.constant 0 : index
    %get3A_9 = vector.load %arg4[%get3A_7, %get3A_8] : memref<128x2048xf32, #tpu.memory_space<vmem>>, vector<128x2048xf32>
    %dot_general3A = arith.constant dense<0.000000e+00> : vector<1024x2048xf32>
    %dot_general3A_10 = tpu.matmul %get3A_6, %get3A_9, %dot_general3A {dimension_numbers = #tpu.dot_dimension_numbers<[1], [0], [0], [1], [0, 0, 1, 1], [], []>, transpose_lhs_hint = false} : vector<1024x128xf32>, vector<128x2048xf32>, vector<1024x2048xf32> -> vector<1024x2048xf32>
    %mul3A = arith.constant 5.000000e-01 : f32
    %mul3A_11 = vector.broadcast %mul3A : f32 to vector<1024x2048xf32>
    %mul3A_12 = arith.mulf %dot_general3A_10, %mul3A_11 : vector<1024x2048xf32>
    %shift_left3A = arith.constant 24 : i32
    %shift_left3A_13 = vector.broadcast %shift_left3A : i32 to vector<1024x512xi32>
    %shift_left3A_14 = arith.shli %get3A_3, %shift_left3A_13 : vector<1024x512xi32>
    %shift_right_arithmetic3A = arith.constant 24 : i32
    %shift_right_arithmetic3A_15 = vector.broadcast %shift_right_arithmetic3A : i32 to vector<1024x512xi32>
    %shift_right_arithmetic3A_16 = arith.shrsi %shift_left3A_14, %shift_right_arithmetic3A_15 : vector<1024x512xi32>
    %convert_element_type3A = arith.sitofp %shift_right_arithmetic3A_16 : vector<1024x512xi32> to vector<1024x512xf32>
    %mul3A_17 = vector.broadcast %get3A_0 : f32 to vector<1024x512xf32>
    %mul3A_18 = arith.mulf %convert_element_type3A, %mul3A_17 : vector<1024x512xf32>
    %slice3A = vector.extract_strided_slice %mul3A_12 {offsets = [0, 0], sizes = [1024, 512], strides = [1, 1]} : vector<1024x2048xf32> to vector<1024x512xf32>
    %add3A = arith.addf %mul3A_18, %slice3A : vector<1024x512xf32>
    %reshape3A = vector.shape_cast %add3A : vector<1024x512xf32> to vector<1x1024x512xf32>
    %swap3A = arith.constant 0 : index
    %swap3A_19 = arith.constant 0 : index
    %swap3A_20 = arith.constant 0 : index
    %swap3A_21 = vector.load %arg5[%swap3A, %swap3A_19, %swap3A_20] : memref<1x1024x2048xf32, #tpu.memory_space<vmem>>, vector<1x1024x512xf32>
    tpu.vector_store %arg5[%swap3A, %swap3A_19, %swap3A_20], %reshape3A {strides = array<i32>} : memref<1x1024x2048xf32, #tpu.memory_space<vmem>>, vector<1x1024x512xf32>,
    %shift_left3A_22 = arith.constant 16 : i32
    %shift_left3A_23 = vector.broadcast %shift_left3A_22 : i32 to vector<1024x512xi32>
    %shift_left3A_24 = arith.shli %get3A_3, %shift_left3A_23 : vector<1024x512xi32>
    %shift_right_arithmetic3A_25 = arith.constant 24 : i32
    %shift_right_arithmetic3A_26 = vector.broadcast %shift_right_arithmetic3A_25 : i32 to vector<1024x512xi32>
    %shift_right_arithmetic3A_27 = arith.shrsi %shift_left3A_24, %shift_right_arithmetic3A_26 : vector<1024x512xi32>
    %convert_element_type3A_28 = arith.sitofp %shift_right_arithmetic3A_27 : vector<1024x512xi32> to vector<1024x512xf32>
    %mul3A_29 = vector.broadcast %get3A_0 : f32 to vector<1024x512xf32>
    %mul3A_30 = arith.mulf %convert_element_type3A_28, %mul3A_29 : vector<1024x512xf32>
    %slice3A_31 = vector.extract_strided_slice %mul3A_12 {offsets = [0, 512], sizes = [1024, 512], strides = [1, 1]} : vector<1024x2048xf32> to vector<1024x512xf32>
    %add3A_32 = arith.addf %mul3A_30, %slice3A_31 : vector<1024x512xf32>
    %reshape3A_33 = vector.shape_cast %add3A_32 : vector<1024x512xf32> to vector<1x1024x512xf32>
    %swap3A_34 = arith.constant 0 : index
    %swap3A_35 = arith.constant 0 : index
    %swap3A_36 = arith.constant 512 : index
    %swap3A_37 = vector.load %arg5[%swap3A_34, %swap3A_35, %swap3A_36] : memref<1x1024x2048xf32, #tpu.memory_space<vmem>>, vector<1x1024x512xf32>
    tpu.vector_store %arg5[%swap3A_34, %swap3A_35, %swap3A_36], %reshape3A_33 {strides = array<i32>} : memref<1x1024x2048xf32, #tpu.memory_space<vmem>>, vector<1x1024x512xf32>,
    %shift_left3A_38 = arith.constant 8 : i32
    %shift_left3A_39 = vector.broadcast %shift_left3A_38 : i32 to vector<1024x512xi32>
    %shift_left3A_40 = arith.shli %get3A_3, %shift_left3A_39 : vector<1024x512xi32>
    %shift_right_arithmetic3A_41 = arith.constant 24 : i32
    %shift_right_arithmetic3A_42 = vector.broadcast %shift_right_arithmetic3A_41 : i32 to vector<1024x512xi32>
    %shift_right_arithmetic3A_43 = arith.shrsi %shift_left3A_40, %shift_right_arithmetic3A_42 : vector<1024x512xi32>
    %convert_element_type3A_44 = arith.sitofp %shift_right_arithmetic3A_43 : vector<1024x512xi32> to vector<1024x512xf32>
    %mul3A_45 = vector.broadcast %get3A_0 : f32 to vector<1024x512xf32>
    %mul3A_46 = arith.mulf %convert_element_type3A_44, %mul3A_45 : vector<1024x512xf32>
    %slice3A_47 = vector.extract_strided_slice %mul3A_12 {offsets = [0, 1024], sizes = [1024, 512], strides = [1, 1]} : vector<1024x2048xf32> to vector<1024x512xf32>
    %add3A_48 = arith.addf %mul3A_46, %slice3A_47 : vector<1024x512xf32>
    %reshape3A_49 = vector.shape_cast %add3A_48 : vector<1024x512xf32> to vector<1x1024x512xf32>
    %swap3A_50 = arith.constant 0 : index
    %swap3A_51 = arith.constant 0 : index
    %swap3A_52 = arith.constant 1024 : index
    %swap3A_53 = vector.load %arg5[%swap3A_50, %swap3A_51, %swap3A_52] : memref<1x1024x2048xf32, #tpu.memory_space<vmem>>, vector<1x1024x512xf32>
    tpu.vector_store %arg5[%swap3A_50, %swap3A_51, %swap3A_52], %reshape3A_49 {strides = array<i32>} : memref<1x1024x2048xf32, #tpu.memory_space<vmem>>, vector<1x1024x512xf32>,
    %shift_left3A_54 = arith.constant 0 : i32
    %shift_left3A_55 = vector.broadcast %shift_left3A_54 : i32 to vector<1024x512xi32>
    %shift_left3A_56 = arith.shli %get3A_3, %shift_left3A_55 : vector<1024x512xi32>
    %shift_right_arithmetic3A_57 = arith.constant 24 : i32
    %shift_right_arithmetic3A_58 = vector.broadcast %shift_right_arithmetic3A_57 : i32 to vector<1024x512xi32>
    %shift_right_arithmetic3A_59 = arith.shrsi %shift_left3A_56, %shift_right_arithmetic3A_58 : vector<1024x512xi32>
    %convert_element_type3A_60 = arith.sitofp %shift_right_arithmetic3A_59 : vector<1024x512xi32> to vector<1024x512xf32>
    %mul3A_61 = vector.broadcast %get3A_0 : f32 to vector<1024x512xf32>
    %mul3A_62 = arith.mulf %convert_element_type3A_60, %mul3A_61 : vector<1024x512xf32>
    %slice3A_63 = vector.extract_strided_slice %mul3A_12 {offsets = [0, 1536], sizes = [1024, 512], strides = [1, 1]} : vector<1024x2048xf32> to vector<1024x512xf32>
    %add3A_64 = arith.addf %mul3A_62, %slice3A_63 : vector<1024x512xf32>
    %reshape3A_65 = vector.shape_cast %add3A_64 : vector<1024x512xf32> to vector<1x1024x512xf32>
    %swap3A_66 = arith.constant 0 : index
    %swap3A_67 = arith.constant 0 : index
    %swap3A_68 = arith.constant 1536 : index
    %swap3A_69 = vector.load %arg5[%swap3A_66, %swap3A_67, %swap3A_68] : memref<1x1024x2048xf32, #tpu.memory_space<vmem>>, vector<1x1024x512xf32>
    tpu.vector_store %arg5[%swap3A_66, %swap3A_67, %swap3A_68], %reshape3A_65 {strides = array<i32>} : memref<1x1024x2048xf32, #tpu.memory_space<vmem>>, vector<1x1024x512xf32>,
    return
  }
  func.func @transform_0(%arg0: i32) -> i32 {
    %c0_i32 = arith.constant 0 : i32
    %c0_i32_0 = arith.constant 0 : i32
    return %c0_i32 : i32
  }
  func.func @transform_1(%arg0: i32) -> (i32, i32) {
    %c0_i32 = arith.constant 0 : i32
    %c0_i32_0 = arith.constant 0 : i32
    return %arg0, %c0_i32 : i32, i32
  }
  func.func @transform_2(%arg0: i32) -> (i32, i32) {
    %c0_i32 = arith.constant 0 : i32
    %c0_i32_0 = arith.constant 0 : i32
    return %arg0, %c0_i32 : i32, i32
  }
  func.func @transform_3(%arg0: i32) -> (i32, i32) {
    %c0_i32 = arith.constant 0 : i32
    %c0_i32_0 = arith.constant 0 : i32
    %c0_i32_1 = arith.constant 0 : i32
    return %c0_i32, %c0_i32_0 : i32, i32
  }
  func.func @transform_4(%arg0: i32) -> (i32, i32, i32) {
    %c0_i32 = arith.constant 0 : i32
    %c0_i32_0 = arith.constant 0 : i32
    %c0_i32_1 = arith.constant 0 : i32
    return %arg0, %c0_i32, %c0_i32_0 : i32, i32, i32
  }
}

</mosaic_0001>

<sc_bundles>
// kernel: kernel.5.cloned.1.call-start
scs
__scs_entry_jumppad:
0x0: {  	(pc) =	sbr.rel $0x88, $3  }
0x1: {  	(tag) =	ssettag $0x0;
	lr =	simm.s32 $0x1  }
0x2: {  	[smem:$0x3F9C] =	sst lr;
	_ =	strace $0xD0000000  }
0x3: {  	_ = 	snop  }
0x4: {  	_ = 	snop  }
0x5: {  	_ = 	snop  }
0x6: {  	_ = 	snop  }
0x7: {  	_ = 	snop  }
__scs_overlays_trampoline_lowered:
0x8: {  	[smem:$0x3FAB] =	sst s0  }
0x9: {  	[smem:$0x3FAC] =	sst s1  }
0xa: {  	[smem:$0x3FAD] =	sst s2  }
0xb: {  	[smem:$0x3FAE] =	sst s3  }
0xc: {  	[smem:$0x3FAF] =	sst s4  }
0xd: {  	[smem:$0x3FB0] =	sst s5  }
0xe: {  	[smem:$0x3FB1] =	sst s6  }
0xf: {  	[smem:$0x3FB2] =	sst s7  }
0x10: {  	[smem:$0x3FB3] =	sst s8  }
0x11: {  	[smem:$0x3FB4] =	sst s9;
	s0 =	simm.s32 @!p0 $0x0  }
0x12: {  	s1 =	sld [smem:$0x3F9A];
	s0 =	simm.s32 @p0 $0x1  }
0x13: {  	[smem:$0x3FB5] =	sst s0;
	s0 =	simm.s32 @!p1 $0x0  }
0x14: {  	s2 =	sld [smem:$0x3F99];
	s0 =	simm.s32 @p1 $0x1  }
0x15: {  	[smem:$0x3FB6] =	sst s0;
	s0 =	simm.s32 @!p2 $0x0  }
0x16: {  	s3 =	sld [smem:$0x3FDB];
	s0 =	simm.s32 @p2 $0x1  }
0x17: {  	s4 =	simm.s32 $0x1BF5;
	[smem:$0x3FB8] =	sst s0  }
0x18: {  	s0 =	sld [smem:$0x3F9B];
	_ =	swait.ge [sflag:s4], $0x0  }
0x19: {  	s7 =	sld [smem:$0x3F9C]  }
0x1a: {  	s8 =	sadd.s32 $0xFFFFE003, lr  }
0x1b: {  	s9 =	sadd.s32 $0xFFFFFEF7, lr;
	s5 =	simm.s32 $0xFFFFFFFF;
	p2 =	slt.u32 s8, $0xFFFFF086  }
0x1c: {  	p1 =	slt.u32 s9, $0xF7A;
	s5 =	simm.s32 @!p2 $0x0  }
0x1d: {  	s5 =	simm.s32 @p1 $0x1;
	p0 =	seq.s32 s7, s2  }
0x1e: {  	s7 =	smul.u32 @!p0 $0xF7A, s2;
	p2 =	seq.s32 @!p0 s5, $0x0  }
0x1f: {  	s9 =	smul.u32 $0xF7A, s1;
	s8 =	simm.s32 @!p0 $0x1BF5;
	p2 =	por !p2, p0  }
0x20: {  	[sflag:s8] =	ssyncset.s32 @!p0 $0xFFFFF086;
	s6 =	sadd.s32 @!p0 s3, s7;
	s7 =	simm.s32 @!p0 $0x108  }
0x21: {  	s3 =	sadd.s32 s3, s9;
	s6 =	sadd.s32 @!p0 $0x88, s6;
	s7 =	simm.s32 @p2 $0x1082  }
0x22: {  	[simem:s7], [sflag:s8] =	dma.local @!p0 [hbm:s6], $0xF7A  }
0x23: {  	s9 =	sor.u32 $0xD0000000, s2;
	s6 =	simm.s32 $0x108;
	_ =	swait.ge @!p0 [sflag:s8], $0x0  }
0x24: {  	s3 =	sadd.s32 $0x88, s3;
	s6 =	simm.s32 @!p1 $0x1082;
	[sflag:s4] =	ssyncset.s32 $0xFFFFF086  }
0x25: {  	[simem:s6], [sflag:s4] =	dma.local [hbm:s3], $0xF7A  }
0x26: {  	[smem:$0x3F9C] =	sst s1;
	(tag) =	ssettag s2;
	_ =	strace s9  }
0x27: {  	s1 =	sld [smem:$0x3FAC]  }
0x28: {  	s2 =	sld [smem:$0x3FAD]  }
0x29: {  	s4 =	sld [smem:$0x3FAF]  }
0x2a: {  	p0 =	seq.s32 s5, $0x0;
	s5 =	sld [smem:$0x3FB0]  }
0x2b: {  	s6 =	sld [smem:$0x3FB1]  }
0x2c: {  	s7 =	sld [smem:$0x3FB2]  }
0x2d: {  	s3 =	simm.s32 $0x108;
	s8 =	sld [smem:$0x3FB3]  }
0x2e: {  	s3 =	simm.s32 @!p0 $0x1082;
	s9 =	sld [smem:$0x3FB4]  }
0x2f: {  	lr =	sadd.s32 s0, s3;
	s0 =	sld [smem:$0x3FAB]  }
0x30: {  	s3 =	sld [smem:$0x3FAE]  }
0x31: {  	[smem:$0x3FB7] =	sst s10  }
0x32: {  	s10 =	sld [smem:$0x3FB5];
	_ =	sdelay $0x3  }
0x33: {  	p0 =	seq.s32 s10, $0x1;
	s10 =	sld [smem:$0x3FB7];
	_ =	sdelay $0x3  }
0x34: {  	[smem:$0x3FB7] =	sst s10  }
0x35: {  	s10 =	sld [smem:$0x3FB6];
	_ =	sdelay $0x3  }
0x36: {  	p1 =	seq.s32 s10, $0x1;
	s10 =	sld [smem:$0x3FB7];
	_ =	sdelay $0x3  }
0x37: {  	[smem:$0x3FB7] =	sst s10  }
0x38: {  	s10 =	sld [smem:$0x3FB8]  }
0x39: {  	_ = 	snop;
	(pc) =	sbr.ind lr, $3  }
0x3a: {  	_ = 	snop  }
0x3b: {  	_ = 	snop  }
0x3c: {  	p2 =	seq.s32 s10, $0x1;
	s10 =	sld [smem:$0x3FB7]  }
0x3d: {  	_ =	shalt  }
0x3e: {  	_ =	shalt  }
0x3f: {  	_ =	shalt  }
0x40: {  	_ =	shalt  }
0x41: {  	_ =	shalt  }
0x42: {  	_ =	shalt  }
0x43: {  	_ =	shalt  }
0x44: {  	_ =	shalt  }
0x45: {  	_ =	shalt  }
0x46: {  	_ =	shalt  }
0x47: {  	_ =	shalt  }
0x48: {  	_ =	shalt  }
0x49: {  	_ =	shalt  }
0x4a: {  	_ =	shalt  }
0x4b: {  	_ =	shalt  }
0x4c: {  	_ =	shalt  }
0x4d: {  	_ =	shalt  }
0x4e: {  	_ =	shalt  }
0x4f: {  	_ =	shalt  }
0x50: {  	_ =	shalt  }
0x51: {  	_ =	shalt  }
0x52: {  	_ =	shalt  }
0x53: {  	_ =	shalt  }
0x54: {  	_ =	shalt  }
0x55: {  	_ =	shalt  }
0x56: {  	_ =	shalt  }
0x57: {  	_ =	shalt  }
0x58: {  	_ =	shalt  }
0x59: {  	_ =	shalt  }
0x5a: {  	_ =	shalt  }
0x5b: {  	_ =	shalt  }
0x5c: {  	_ =	shalt  }
0x5d: {  	_ =	shalt  }
0x5e: {  	_ =	shalt  }
0x5f: {  	_ =	shalt  }
0x60: {  	_ =	shalt  }
0x61: {  	_ =	shalt  }
0x62: {  	_ =	shalt  }
0x63: {  	_ =	shalt  }
0x64: {  	_ =	shalt  }
0x65: {  	_ =	shalt  }
0x66: {  	_ =	shalt  }
0x67: {  	_ =	shalt  }
0x68: {  	_ =	shalt  }
0x69: {  	_ =	shalt  }
0x6a: {  	_ =	shalt  }
0x6b: {  	_ =	shalt  }
0x6c: {  	_ =	shalt  }
0x6d: {  	_ =	shalt  }
0x6e: {  	_ =	shalt  }
0x6f: {  	_ =	shalt  }
0x70: {  	_ =	shalt  }
0x71: {  	_ =	shalt  }
0x72: {  	_ =	shalt  }
0x73: {  	_ =	shalt  }
0x74: {  	_ =	shalt  }
0x75: {  	_ =	shalt  }
0x76: {  	_ =	shalt  }
0x77: {  	_ =	shalt  }
0x78: {  	_ =	shalt  }
0x79: {  	_ =	shalt  }
0x7a: {  	_ =	shalt  }
0x7b: {  	_ =	shalt  }
0x7c: {  	_ =	shalt  }
0x7d: {  	_ =	shalt  }
0x7e: {  	_ =	shalt  }
0x7f: {  	_ =	shalt  }
0x80: {  	_ =	shalt  }
0x81: {  	_ =	shalt  }
0x82: {  	_ =	shalt  }
0x83: {  	_ =	shalt  }
0x84: {  	_ =	shalt  }
0x85: {  	_ =	shalt  }
0x86: {  	_ =	shalt  }
0x87: {  	_ =	shalt  }
.Lfunc_end0:
.L_simem_size_0:
called_computation_lowered:
.L_overlay_start_0:
0x88: {  	s2 =	sld [smem:$0x3FD9]  }
0x89: {  	s3 =	sld [smem:$0x3FFE];
	_ =	sdelay $0x1  }
0x8a: {  	s1 =	srdreg.scid  }
0x8b: {  	s0 =	sand.u32 $0x1, s1  }
0x8c: {  	s17 =	sshll.u32 s0, $0xA;
	s2 =	sadd.s32 s3, s2  }
0x8d: {  	s2 =	sadd.s32 s2, s17  }
0x8e: {  	[smem:$0x3FC3] =	sst s2  }
0x8f: {  	_ = 	snop  }
0x90: {  	s2 =	sld [smem:$0x3FD0];
	(tm) =	ssettm $0x1  }
0x91: {  	s18 =	sld [smem:$0x3FFB];
	_ =	sdelay $0x3  }
0x92: {  	_ =	strace s18  }
0x93: {  	s3 =	sld [smem:$0x3FFC];
	_ =	sdelay $0x3  }
0x94: {  	_ =	strace s3  }
0x95: {  	s3 =	sld [smem:$0x3FFD];
	_ =	sdelay $0x3  }
0x96: {  	_ =	strace s3  }
0x97: {  	_ =	strace $0x8FFFFFFF  }
0x98: {  	s19 =	sld [smem:$0x3FDB];
	_ =	sdelay $0x1  }
0x99: {  	s4 =	simm.s32 $_scs_section_size  }
0x9a: {  	s5 =	simm.s32 $_size__tile_overlayer_lowered;
	s6 =	simm.s32 $_tile_overlayer_lowered  }
0x9b: {  	s22 =	simm.s32 $0x1BFF;
	s21 =	sshll.u32 s6, $0x1;
	s3 =	sadd.s32 s4, s19  }
0x9c: {  	s7 =	simm.s32 $0x0;
	s20 =	sshll.u32 s5, $0x1;
	s5 =	sadd.s32 s21, s3  }
0x9d: {  	[timem:s7], [sflag:s22] =	dma.local [hbm:s5], s20  }
0x9e: {  	_ =	swait.ge [sflag:s22], s20  }
0x9f: {  	s4 =	ssub.s32 $0x0, s20;
	[sflag:s22] =	ssyncset.done $0x0  }
0xa0: {  	[sflag:s22] =	ssyncadd.s32 s4;
	_ =	sdelay $0x1  }
0xa1: {  	s23 =	simm.s32 $0x1B8B  }
0xa2: {  	_ =	swait.ge [sflag:s23], $0x1  }
0xa3: {  	[sflag:s23] =	ssyncset.done $0x0  }
0xa4: {  	s25 =	simm.s32 $0x1B8E;
	s24 =	sld [smem:$0x3FFE];
	[sflag:s23] =	ssyncadd.s32 $0xFFFFFFFF  }
0xa5: {  	s26 =	simm.s32 $execute0_lowered;
	[smem:$0x3FD2] =	sst s25  }
0xa6: {  	s5 =	sshll.u32 s26, $0x1;
	_ =	strace $0x80000046;
	[dreg:$0x1] =	wrdreg $0xFFFFFFFF  }
0xa7: {  	s28 =	simm.s32 $_size_execute0_lowered;
	s3 =	sadd.s32 s3, s5;
	[dreg:$0x0] =	wrdreg $0x0  }
0xa8: {  	s5 =	sshll.u32 s28, $0x1;
	[dreg:$0x2] =	wrdreg s3  }
0xa9: {  	[dreg:$0x3] =	wrdreg s5  }
0xaa: {  	[dreg:$0x4] =	wrdreg $0xC0  }
0xab: {  	_ =	task [dreg:s7], $0x5FFFF  }
0xac: {  	[dreg:$0x1] =	wrdreg $0xFFFFFFFF  }
0xad: {  	[dreg:$0x0] =	wrdreg $0x60  }
0xae: {  	[dreg:$0x2] =	wrdreg s24  }
0xaf: {  	[dreg:$0x3] =	wrdreg s2  }
0xb0: {  	[dreg:$0x4] =	wrdreg $0x9  }
0xb1: {  	_ =	task.clear_ibuf [dreg:s7], $0x5FFFF;
	_ =	strace $0x90000046  }
0xb2: {  	s29 =	simm.s32 $0x9;
	_ =	strace $0x80000048  }
0xb3: {  	_ =	swait.ge [sflag:s29], $0x1  }
0xb4: {  	[sflag:s29] =	ssyncadd.s32 $0xFFFFFFFF  }
0xb5: {  	_ =	strace $0x90000048  }
0xb6: {  	_ =	sfence  }
0xb7: {  	s30 =	sld [smem:$0x0];
	_ =	sdelay $0x2  }
0xb8: {  	s31 =	sshll.u32 s1, $0xD;
	s1 =	sshrl.u32 s1, $0x2  }
0xb9: {  	s3 =	sand.u32 $0x4000, s31;
	s1 =	sadd.s32 s1, s30  }
0xba: {  	s0 =	sor.u32 s3, s0;
	s1 =	sshll.u32 s1, $0x11  }
0xbb: {  	s0 =	sor.u32 s1, s0  }
0xbc: {  	s0 =	sadd.s32 $0x8F2B, s0  }
0xbd: {  	[sflag:s0] =	ssyncadd.remote.s32 $0x1  }
0xbe: {  	_ =	sfence.sel $0xFFFF  }
0xbf: {  	[dreg:$0x0] =	wrdreg $0xFFFFFFFF;
	(pc) =	sbr.abs _section_cstart, $3  }
0xc0: {  	[dreg:$0x1] =	wrdreg $0xFFFFFFFF  }
0xc1: {  	_ =	task.clear_ibuf [dreg:s7], $0x2FFFF;
	_ =	strace $0x9FFFFFFF  }
0xc2: {  	(tm) =	ssettm $0x7FFFFFFF  }
0xc3: {  	_ =	shalt  }
tec
execute0_lowered:
.L_overlay_start_1:
0x0: {  	(tag) =	ssettag $0x1  }
0x1: {  	s0 =	srdreg.scid;
	s5 =	rddreg [dreg:$0x0]  }
0x2: {  	s12 =	stileid.u32;
	s2 =	rddreg [dreg:$0x1]  }
0x3: {  	s3 =	simm.s32 $0x0;
	s17 =	simm.s32 $0xE80;
	s13 =	simm.s32 $0x1680  }
0x4: {  	s14 =	simm.s32 $0x1E80;
	s16 =	simm.s32 $0x2680;
	s31 =	simm.s32 $0x2E80  }
0x5: {  	s19 =	simm.s32 $0x3680;
	s20 =	simm.s32 $0x3E80;
	s21 =	simm.s32 $0x4680  }
0x6: {  	s30 =	simm.s32 $0x7680;
	s15 =	simm.s32 $0x7E80;
	s29 =	simm.s32 $0x50  }
0x7: {  	s28 =	simm.s32 $0x14680;
	s18 =	simm.s32 $0xA680;
	s23 =	smul.u32 $0x32000, s12  }
0x8: {  	s0 =	sand.u32 $0x1, s0;
	s1 =	sshll.u32 s12, $0x1;
	s12 =	smul.u32 $0xC800, s12  }
0x9: {  	[smem:$0x7FF] =	sst s3;
	s8 =	sadd.s32 $0x30F800, s5;
	s24 =	smul.u32 $0x19000, s0  }
0xa: {  	s1 =	sor.u32 s0, s1;
	s7 =	ssub.s32 $0x2, s0;
	s0 =	smul.u32 $0x6400, s0  }
0xb: {  	_ =	strace $0x80000047;
	s1 =	smul.u32 $0x640, s1;
	s9 =	sshrl.u32 s7, $0x1  }
0xc: {  	s26 =	sadd.s32 s23, s8;
	s23 =	simm.s32 $0x5680;
	s7 =	ssub.s32 s7, s9  }
0xd: {  	s4 =	sshrl.u32 s1, $0x3;
	s22 =	sadd.s32 $0x5A0, s1;
	s1 =	sadd.s32 $0x5F0, s1  }
0xe: {  	s25 =	smax.u32 s7, $0x1;
	s7 =	simm.s32 $0x3;
	s6 =	sadd.s32 s4, s5  }
0xf: {  	s4 =	sadd.s32 $0x188E00, s5;
	s5 =	sadd.s32 $0x2400, s5;
	s10 =	sshll.u32 s22, $0x6  }
0x10: {  	s9 =	sshll.u32 s22, $0x4;
	s11 =	sshll.u32 s1, $0x6;
	s1 =	sshll.u32 s1, $0x4  }
0x11: {  	[dreg:$0x8] =	wrdreg s25;
	s22 =	simm.s32 $0x4E80;
	s6 =	sadd.s32 $0xA00, s6  }
0x12: {  	s25 =	simm.s32 $0x6680;
	s10 =	sadd.s32 s8, s10;
	[dreg:$0x3] =	wrdreg s6  }
0x13: {  	s9 =	sadd.s32 s5, s9;
	s11 =	sadd.s32 s8, s11;
	[dreg:$0x4] =	wrdreg s10  }
0x14: {  	s1 =	sadd.s32 s5, s1;
	s5 =	sadd.s32 s12, s5;
	[dreg:$0x5] =	wrdreg s9  }
0x15: {  	s8 =	simm.s32 $0x680;
	s12 =	simm.s32 $0x0;
	[dreg:$0x6] =	wrdreg s11  }
0x16: {  	s6 =	sadd.s32 $0x100, s2;
	[dreg:$0x7] =	wrdreg s1;
	s1 =	sadd.s32 s24, s26  }
0x17: {  	s0 =	sadd.s32 s0, s5;
	s24 =	simm.s32 $0x5E80;
	s26 =	simm.s32 $0x6E80  }
0x18: {  	v2 =	vlaneseq.u32;
	s9 =	simm.s32 $0x8680;
	s10 =	simm.s32 $0x8E80;
	[dreg:$0xb] =	wrdreg s12  }
0x19: {  	vm0 =	vmmov $0xffff;
	v1 =	vshrl.u32 v2, $0x3;
	s5 =	simm.s32 $0x2;
	s11 =	simm.s32 $0x4;
	[dreg:$0x9] =	wrdreg s1  }
0x1a: {  	v0 =	vand.u32 $0x7, v2;
	v2 =	vor.u32 $0x8, v2;
	v1 =	vmul.u32 $0x8, v1;
	[dreg:$0xa] =	wrdreg s0;
	s1 =	simm.s32 $0x16E80;
	s0 =	simm.s32 $0x1  }
.LBB2_1:
0x1b: {  	s12 =	rddreg [dreg:$0x3]  }
0x1c: {  	[tilespmem:s3], [sflag:$0x5] =	stream.linear.gather [hbm4b:s12+s3], $0x640, $0x38;
	[tilespmem:$0x19680] =	vst v63  }
0x1d: {  	s12 =	simm.s32 $0x5  }
0x1e: {  	_ =	swait.ge [sflag:s12], $0x640  }
0x1f: {  	[sflag:s12] =	ssyncset.done $0x0  }
0x20: {  	[sflag:s12] =	ssyncadd.s32 $0xFFFFF9C0  }
0x21: {  	v3 =	vld [tilespmem:$0x0];
	_ =	sdelay $0x4  }
0x22: {  	v4 =	vshll.u32 v3, $0x2  }
0x23: {  	v3 =	vand.u32 $0x7, v3;
	v4 =	vand.u32 $0xFFFFFFE0, v4  }
0x24: {  	v3 =	vor.u32 v3, v4  }
0x25: {  	v4 =	vperm.xlane v3, v0;
	_ =	sdelay $0x1  }
0x26: {  	v4 =	vadd.s32 v1, v4;
	_ =	sdelay $0x1  }
0x27: {  	v3 =	vperm.xlane v3, v2;
	_ =	sdelay $0x1  }
0x28: {  	v3 =	vadd.s32 v1, v3  }
0x29: {  	[tilespmem:s8], [sflag:$0x1] =	stream.indirect_vreg.gather [hbm4b:s2+s3], $0x80, v4, vm0, $0xb8;
	[tilespmem:$0x19680] =	vst v63  }
0x2a: {  	_ = 	snop  }
0x2b: {  	[tilespmem:s17], [sflag:$0x1] =	stream.indirect_vreg.gather [hbm4b:s6+s3], $0x80, v4, vm0, $0xb8;
	[tilespmem:$0x19680] =	vst v63  }
0x2c: {  	_ = 	snop  }
0x2d: {  	[tilespmem:s13], [sflag:$0x1] =	stream.indirect_vreg.gather [hbm4b:s2+s3], $0x80, v3, vm0, $0xb8;
	[tilespmem:$0x19680] =	vst v63  }
0x2e: {  	_ = 	snop  }
0x2f: {  	[tilespmem:s14], [sflag:$0x1] =	stream.indirect_vreg.gather [hbm4b:s6+s3], $0x80, v3, vm0, $0xb8;
	[tilespmem:$0x19680] =	vst v63  }
0x30: {  	v3 =	vld [tilespmem:$0x10];
	_ =	sdelay $0x4  }
0x31: {  	v55 =	vshll.u32 v3, $0x2  }
0x32: {  	v3 =	vand.u32 $0x7, v3;
	v4 =	vand.u32 $0xFFFFFFE0, v55  }
0x33: {  	v3 =	vor.u32 v3, v4  }
0x34: {  	v4 =	vperm.xlane v3, v0;
	_ =	sdelay $0x1  }
0x35: {  	v4 =	vadd.s32 v1, v4;
	_ =	sdelay $0x1  }
0x36: {  	v3 =	vperm.xlane v3, v2;
	_ =	sdelay $0x1  }
0x37: {  	v3 =	vadd.s32 v1, v3  }
0x38: {  	[tilespmem:s16], [sflag:$0x1] =	stream.indirect_vreg.gather [hbm4b:s2+s3], $0x80, v4, vm0, $0xb8;
	[tilespmem:$0x19680] =	vst v63  }
0x39: {  	_ = 	snop  }
0x3a: {  	[tilespmem:s31], [sflag:$0x1] =	stream.indirect_vreg.gather [hbm4b:s6+s3], $0x80, v4, vm0, $0xb8;
	[tilespmem:$0x19680] =	vst v63  }
0x3b: {  	_ = 	snop  }
0x3c: {  	[tilespmem:s19], [sflag:$0x1] =	stream.indirect_vreg.gather [hbm4b:s2+s3], $0x80, v3, vm0, $0xb8;
	[tilespmem:$0x19680] =	vst v63  }
0x3d: {  	_ = 	snop  }
0x3e: {  	[tilespmem:s20], [sflag:$0x1] =	stream.indirect_vreg.gather [hbm4b:s6+s3], $0x80, v3, vm0, $0xb8;
	[tilespmem:$0x19680] =	vst v63  }
0x3f: {  	v3 =	vld [tilespmem:$0x20];
	_ =	sdelay $0x4  }
0x40: {  	v56 =	vshll.u32 v3, $0x2  }
0x41: {  	v3 =	vand.u32 $0x7, v3;
	v4 =	vand.u32 $0xFFFFFFE0, v56  }
0x42: {  	v3 =	vor.u32 v3, v4  }
0x43: {  	v4 =	vperm.xlane v3, v0;
	_ =	sdelay $0x1  }
0x44: {  	v4 =	vadd.s32 v1, v4;
	_ =	sdelay $0x1  }
0x45: {  	v3 =	vperm.xlane v3, v2;
	_ =	sdelay $0x1  }
0x46: {  	v3 =	vadd.s32 v1, v3  }
0x47: {  	[tilespmem:s21], [sflag:$0x1] =	stream.indirect_vreg.gather [hbm4b:s2+s3], $0x80, v4, vm0, $0xb8;
	[tilespmem:$0x19680] =	vst v63  }
0x48: {  	_ = 	snop  }
0x49: {  	[tilespmem:s22], [sflag:$0x1] =	stream.indirect_vreg.gather [hbm4b:s6+s3], $0x80, v4, vm0, $0xb8;
	[tilespmem:$0x19680] =	vst v63  }
0x4a: {  	_ = 	snop  }
0x4b: {  	[tilespmem:s23], [sflag:$0x1] =	stream.indirect_vreg.gather [hbm4b:s2+s3], $0x80, v3, vm0, $0xb8;
	[tilespmem:$0x19680] =	vst v63  }
0x4c: {  	_ = 	snop  }
0x4d: {  	[tilespmem:s24], [sflag:$0x1] =	stream.indirect_vreg.gather [hbm4b:s6+s3], $0x80, v3, vm0, $0xb8;
	[tilespmem:$0x19680] =	vst v63  }
0x4e: {  	v3 =	vld [tilespmem:$0x30];
	_ =	sdelay $0x4  }
0x4f: {  	v57 =	vshll.u32 v3, $0x2  }
0x50: {  	v3 =	vand.u32 $0x7, v3;
	v4 =	vand.u32 $0xFFFFFFE0, v57  }
0x51: {  	v3 =	vor.u32 v3, v4  }
0x52: {  	v4 =	vperm.xlane v3, v0;
	_ =	sdelay $0x1  }
0x53: {  	v4 =	vadd.s32 v1, v4;
	_ =	sdelay $0x1  }
0x54: {  	v3 =	vperm.xlane v3, v2;
	_ =	sdelay $0x1  }
0x55: {  	v3 =	vadd.s32 v1, v3  }
0x56: {  	[tilespmem:s25], [sflag:$0x1] =	stream.indirect_vreg.gather [hbm4b:s2+s3], $0x80, v4, vm0, $0xb8;
	[tilespmem:$0x19680] =	vst v63  }
0x57: {  	_ = 	snop  }
0x58: {  	[tilespmem:s26], [sflag:$0x1] =	stream.indirect_vreg.gather [hbm4b:s6+s3], $0x80, v4, vm0, $0xb8;
	[tilespmem:$0x19680] =	vst v63  }
0x59: {  	_ = 	snop  }
0x5a: {  	[tilespmem:s30], [sflag:$0x1] =	stream.indirect_vreg.gather [hbm4b:s2+s3], $0x80, v3, vm0, $0xb8;
	[tilespmem:$0x19680] =	vst v63  }
0x5b: {  	_ = 	snop  }
0x5c: {  	[tilespmem:s15], [sflag:$0x1] =	stream.indirect_vreg.gather [hbm4b:s6+s3], $0x80, v3, vm0, $0xb8;
	[tilespmem:$0x19680] =	vst v63  }
0x5d: {  	v3 =	vld [tilespmem:$0x40];
	_ =	sdelay $0x4  }
0x5e: {  	v58 =	vshll.u32 v3, $0x2  }
0x5f: {  	v3 =	vand.u32 $0x7, v3;
	v4 =	vand.u32 $0xFFFFFFE0, v58  }
0x60: {  	v3 =	vor.u32 v3, v4  }
0x61: {  	v4 =	vperm.xlane v3, v0;
	_ =	sdelay $0x1  }
0x62: {  	v4 =	vadd.s32 v1, v4;
	_ =	sdelay $0x1  }
0x63: {  	v3 =	vperm.xlane v3, v2;
	_ =	sdelay $0x1  }
0x64: {  	v3 =	vadd.s32 v1, v3  }
0x65: {  	[tilespmem:s9], [sflag:$0x1] =	stream.indirect_vreg.gather [hbm4b:s2+s3], $0x80, v4, vm0, $0xb8;
	[tilespmem:$0x19680] =	vst v63  }
0x66: {  	_ = 	snop  }
0x67: {  	[tilespmem:s10], [sflag:$0x1] =	stream.indirect_vreg.gather [hbm4b:s6+s3], $0x80, v4, vm0, $0xb8;
	[tilespmem:$0x19680] =	vst v63  }
0x68: {  	s26 =	simm.s32 $0x9680  }
0x69: {  	[tilespmem:s26], [sflag:$0x1] =	stream.indirect_vreg.gather [hbm4b:s2+s3], $0x80, v3, vm0, $0xb8;
	[tilespmem:$0x19680] =	vst v63  }
0x6a: {  	s9 =	simm.s32 $0x9E80  }
0x6b: {  	[tilespmem:s9], [sflag:$0x1] =	stream.indirect_vreg.gather [hbm4b:s6+s3], $0x80, v3, vm0, $0xb8;
	[tilespmem:$0x19680] =	vst v63  }
0x6c: {  	_ = 	snop  }
0x6d: {  	[tilespmem:s28], [sflag:$0x1] =	stream.indirect.gather [hbm4b:s4+s29], $0x80, s3, s29, $0xb8;
	[tilespmem:$0x19680] =	vst v63  }
0x6e: {  	v3 =	vld [tilespmem:$0x50];
	_ =	sdelay $0x4  }
0x6f: {  	v59 =	vshll.u32 v3, $0x2  }
0x70: {  	v3 =	vand.u32 $0x7, v3;
	v4 =	vand.u32 $0xFFFFFFE0, v59  }
0x71: {  	v3 =	vor.u32 v3, v4  }
0x72: {  	v4 =	vperm.xlane v3, v0;
	_ =	sdelay $0x1  }
0x73: {  	v4 =	vadd.s32 v1, v4;
	_ =	sdelay $0x1  }
0x74: {  	v3 =	vperm.xlane v3, v2;
	_ =	sdelay $0x1  }
0x75: {  	v3 =	vadd.s32 v1, v3  }
0x76: {  	[tilespmem:s18], [sflag:$0x2] =	stream.indirect_vreg.gather [hbm4b:s2+s3], $0x80, v4, vm0, $0xb8;
	[tilespmem:$0x19680] =	vst v63  }
0x77: {  	s10 =	simm.s32 $0xAE80  }
0x78: {  	[tilespmem:s10], [sflag:$0x2] =	stream.indirect_vreg.gather [hbm4b:s6+s3], $0x80, v4, vm0, $0xb8;
	[tilespmem:$0x19680] =	vst v63  }
0x79: {  	s12 =	simm.s32 $0xB680  }
0x7a: {  	[tilespmem:s12], [sflag:$0x2] =	stream.indirect_vreg.gather [hbm4b:s2+s3], $0x80, v3, vm0, $0xb8;
	[tilespmem:$0x19680] =	vst v63  }
0x7b: {  	s13 =	simm.s32 $0xBE80  }
0x7c: {  	[tilespmem:s13], [sflag:$0x2] =	stream.indirect_vreg.gather [hbm4b:s6+s3], $0x80, v3, vm0, $0xb8;
	[tilespmem:$0x19680] =	vst v63  }
0x7d: {  	v3 =	vld [tilespmem:$0x60];
	_ =	sdelay $0x4  }
0x7e: {  	v60 =	vshll.u32 v3, $0x2  }
0x7f: {  	v3 =	vand.u32 $0x7, v3;
	v4 =	vand.u32 $0xFFFFFFE0, v60  }
0x80: {  	v3 =	vor.u32 v3, v4  }
0x81: {  	v4 =	vperm.xlane v3, v0;
	_ =	sdelay $0x1  }
0x82: {  	v4 =	vadd.s32 v1, v4;
	_ =	sdelay $0x1  }
0x83: {  	v3 =	vperm.xlane v3, v2;
	_ =	sdelay $0x1  }
0x84: {  	s14 =	simm.s32 $0xC680;
	v3 =	vadd.s32 v1, v3  }
0x85: {  	[tilespmem:s14], [sflag:$0x2] =	stream.indirect_vreg.gather [hbm4b:s2+s3], $0x80, v4, vm0, $0xb8;
	[tilespmem:$0x19680] =	vst v63  }
0x86: {  	s15 =	simm.s32 $0xCE80  }
0x87: {  	[tilespmem:s15], [sflag:$0x2] =	stream.indirect_vreg.gather [hbm4b:s6+s3], $0x80, v4, vm0, $0xb8;
	[tilespmem:$0x19680] =	vst v63  }
0x88: {  	s16 =	simm.s32 $0xD680  }
0x89: {  	[tilespmem:s16], [sflag:$0x2] =	stream.indirect_vreg.gather [hbm4b:s2+s3], $0x80, v3, vm0, $0xb8;
	[tilespmem:$0x19680] =	vst v63  }
0x8a: {  	s18 =	simm.s32 $0xDE80  }
0x8b: {  	[tilespmem:s18], [sflag:$0x2] =	stream.indirect_vreg.gather [hbm4b:s6+s3], $0x80, v3, vm0, $0xb8;
	[tilespmem:$0x19680] =	vst v63  }
0x8c: {  	v3 =	vld [tilespmem:$0x70];
	_ =	sdelay $0x4  }
0x8d: {  	v61 =	vshll.u32 v3, $0x2  }
0x8e: {  	v3 =	vand.u32 $0x7, v3;
	v4 =	vand.u32 $0xFFFFFFE0, v61  }
0x8f: {  	v3 =	vor.u32 v3, v4  }
0x90: {  	v4 =	vperm.xlane v3, v0;
	_ =	sdelay $0x1  }
0x91: {  	v4 =	vadd.s32 v1, v4;
	_ =	sdelay $0x1  }
0x92: {  	v3 =	vperm.xlane v3, v2;
	_ =	sdelay $0x1  }
0x93: {  	s19 =	simm.s32 $0xE680;
	v3 =	vadd.s32 v1, v3  }
0x94: {  	[tilespmem:s19], [sflag:$0x2] =	stream.indirect_vreg.gather [hbm4b:s2+s3], $0x80, v4, vm0, $0xb8;
	[tilespmem:$0x19680] =	vst v63  }
0x95: {  	s20 =	simm.s32 $0xEE80  }
0x96: {  	[tilespmem:s20], [sflag:$0x2] =	stream.indirect_vreg.gather [hbm4b:s6+s3], $0x80, v4, vm0, $0xb8;
	[tilespmem:$0x19680] =	vst v63  }
0x97: {  	s21 =	simm.s32 $0xF680  }
0x98: {  	[tilespmem:s21], [sflag:$0x2] =	stream.indirect_vreg.gather [hbm4b:s2+s3], $0x80, v3, vm0, $0xb8;
	[tilespmem:$0x19680] =	vst v63  }
0x99: {  	s22 =	simm.s32 $0xFE80  }
0x9a: {  	[tilespmem:s22], [sflag:$0x2] =	stream.indirect_vreg.gather [hbm4b:s6+s3], $0x80, v3, vm0, $0xb8;
	[tilespmem:$0x19680] =	vst v63  }
0x9b: {  	v3 =	vld [tilespmem:$0x80];
	_ =	sdelay $0x4  }
0x9c: {  	v62 =	vshll.u32 v3, $0x2  }
0x9d: {  	v3 =	vand.u32 $0x7, v3;
	v4 =	vand.u32 $0xFFFFFFE0, v62  }
0x9e: {  	v3 =	vor.u32 v3, v4  }
0x9f: {  	v4 =	vperm.xlane v3, v0;
	_ =	sdelay $0x1  }
0xa0: {  	v4 =	vadd.s32 v1, v4;
	_ =	sdelay $0x1  }
0xa1: {  	v3 =	vperm.xlane v3, v2;
	_ =	sdelay $0x1  }
0xa2: {  	s23 =	simm.s32 $0x10680;
	v3 =	vadd.s32 v1, v3  }
0xa3: {  	[tilespmem:s23], [sflag:$0x2] =	stream.indirect_vreg.gather [hbm4b:s2+s3], $0x80, v4, vm0, $0xb8;
	[tilespmem:$0x19680] =	vst v63  }
0xa4: {  	s24 =	simm.s32 $0x10E80  }
0xa5: {  	[tilespmem:s24], [sflag:$0x2] =	stream.indirect_vreg.gather [hbm4b:s6+s3], $0x80, v4, vm0, $0xb8;
	[tilespmem:$0x19680] =	vst v63  }
0xa6: {  	s25 =	simm.s32 $0x11680  }
0xa7: {  	[tilespmem:s25], [sflag:$0x2] =	stream.indirect_vreg.gather [hbm4b:s2+s3], $0x80, v3, vm0, $0xb8;
	[tilespmem:$0x19680] =	vst v63  }
0xa8: {  	s26 =	simm.s32 $0x11E80  }
0xa9: {  	[tilespmem:s26], [sflag:$0x2] =	stream.indirect_vreg.gather [hbm4b:s6+s3], $0x80, v3, vm0, $0xb8;
	[tilespmem:$0x19680] =	vst v63  }
0xaa: {  	v3 =	vld [tilespmem:$0x90];
	_ =	sdelay $0x4  }
0xab: {  	v63 =	vshll.u32 v3, $0x2  }
0xac: {  	v3 =	vand.u32 $0x7, v3;
	v4 =	vand.u32 $0xFFFFFFE0, v63  }
0xad: {  	v3 =	vor.u32 v3, v4  }
0xae: {  	v4 =	vperm.xlane v3, v0;
	_ =	sdelay $0x1  }
0xaf: {  	v4 =	vadd.s32 v1, v4;
	_ =	sdelay $0x1  }
0xb0: {  	v3 =	vperm.xlane v3, v2;
	_ =	sdelay $0x1  }
0xb1: {  	s28 =	simm.s32 $0x12680;
	v3 =	vadd.s32 v1, v3  }
0xb2: {  	[tilespmem:s28], [sflag:$0x2] =	stream.indirect_vreg.gather [hbm4b:s2+s3], $0x80, v4, vm0, $0xb8;
	[tilespmem:$0x19680] =	vst v63  }
0xb3: {  	s31 =	simm.s32 $0x12E80;
	s30 =	simm.s32 $0x6E80;
	s12 =	rddreg [dreg:$0xa]  }
0xb4: {  	[tilespmem:s31], [sflag:$0x2] =	stream.indirect_vreg.gather [hbm4b:s6+s3], $0x80, v4, vm0, $0xb8;
	[tilespmem:$0x19680] =	vst v63  }
0xb5: {  	s10 =	simm.s32 $0x50;
	s13 =	rddreg [dreg:$0x9];
	s22 =	simm.s32 $0x13680  }
0xb6: {  	[tilespmem:s22], [sflag:$0x2] =	stream.indirect_vreg.gather [hbm4b:s2+s3], $0x80, v3, vm0, $0xb8;
	[tilespmem:$0x19680] =	vst v63  }
0xb7: {  	s14 =	simm.s32 $0x0;
	s15 =	simm.s32 $0x7E80;
	s19 =	simm.s32 $0x13E80  }
0xb8: {  	[tilespmem:s19], [sflag:$0x2] =	stream.indirect_vreg.gather [hbm4b:s6+s3], $0x80, v3, vm0, $0xb8;
	[tilespmem:$0x19680] =	vst v63  }
0xb9: {  	s20 =	simm.s32 $0x2680;
	s21 =	simm.s32 $0x8E80;
	s23 =	simm.s32 $0x3E80  }
0xba: {  	[tilespmem:s1], [sflag:$0x2] =	stream.indirect.gather [hbm4b:s4+s29], $0x80, s29, s29, $0xb8;
	[tilespmem:$0x19680] =	vst v63  }
0xbb: {  	s25 =	simm.s32 $0x4E80;
	s26 =	simm.s32 $0x5680;
	s29 =	simm.s32 $0x6680  }
.LBB2_2:
0xbc: {  	_ =	swait.ge [sflag:s0], $0xA000  }
0xbd: {  	[sflag:s0] =	ssyncset.done $0x0  }
0xbe: {  	[sflag:s0] =	ssyncadd.s32 $0xFFFF6000  }
0xbf: {  	_ =	swait.ge [sflag:s0], $0x2800  }
0xc0: {  	[sflag:s0] =	ssyncset.done $0x0  }
0xc1: {  	s9 =	simm.s32 $0x680;
	[sflag:s0] =	ssyncadd.s32 $0xFFFFD800  }
0xc2: {  	[hbm4b:s13+s3] =	stream.linear.scatter [tilespmem:s9], [sflag:$0x3], $0xA000, $0x38;
	[tilespmem:$0x19680] =	vst v63  }
0xc3: {  	s18 =	simm.s32 $0x14680  }
0xc4: {  	[hbm4b:s12+s3] =	stream.linear.scatter [tilespmem:s18], [sflag:$0x3], $0x2800, $0x38;
	[tilespmem:$0x19680] =	vst v63  }
0xc5: {  	_ =	swait.ge [sflag:s5], $0xA000  }
0xc6: {  	[sflag:s5] =	ssyncset.done $0x0  }
0xc7: {  	[sflag:s5] =	ssyncadd.s32 $0xFFFF6000  }
0xc8: {  	_ =	swait.ge [sflag:s5], $0x2800  }
0xc9: {  	[sflag:s5] =	ssyncset.done $0x0  }
0xca: {  	s16 =	sadd.s32 $0x1400, s13;
	s24 =	simm.s32 $0xA680;
	[sflag:s5] =	ssyncadd.s32 $0xFFFFD800  }
0xcb: {  	[hbm4b:s16+s3] =	stream.linear.scatter [tilespmem:s24], [sflag:$0x4], $0xA000, $0x38;
	[tilespmem:$0x19680] =	vst v63  }
0xcc: {  	s8 =	sadd.s32 $0x500, s12  }
0xcd: {  	[hbm4b:s8+s3] =	stream.linear.scatter [tilespmem:s1], [sflag:$0x4], $0x2800, $0x38;
	[tilespmem:$0x19680] =	vst v63  }
0xce: {  	_ =	swait.ge [sflag:s7], $0xA000  }
0xcf: {  	[sflag:s7] =	ssyncset.done $0x0  }
0xd0: {  	[sflag:s7] =	ssyncadd.s32 $0xFFFF6000  }
0xd1: {  	_ =	swait.ge [sflag:s7], $0x2800  }
0xd2: {  	[sflag:s7] =	ssyncset.done $0x0  }
0xd3: {  	s16 =	sshra.s32 s14, $0x2;
	[sflag:s7] =	ssyncadd.s32 $0xFFFFD800  }
0xd4: {  	v3 =	vld [tilespmem:s16+$0xA0];
	_ =	sdelay $0x4  }
0xd5: {  	v4 =	vshll.u32 v3, $0x2  }
0xd6: {  	v3 =	vand.u32 $0x7, v3;
	v4 =	vand.u32 $0xFFFFFFE0, v4  }
0xd7: {  	v3 =	vor.u32 v3, v4  }
0xd8: {  	v4 =	vperm.xlane v3, v0;
	_ =	sdelay $0x1  }
0xd9: {  	v4 =	vadd.s32 v1, v4;
	_ =	sdelay $0x1  }
0xda: {  	v3 =	vperm.xlane v3, v2;
	_ =	sdelay $0x1  }
0xdb: {  	v3 =	vadd.s32 v1, v3  }
0xdc: {  	[tilespmem:s9], [sflag:$0x1] =	stream.indirect_vreg.gather [hbm4b:s2+s3], $0x80, v4, vm0, $0xb8;
	[tilespmem:$0x19680] =	vst v63  }
0xdd: {  	_ = 	snop  }
0xde: {  	[tilespmem:s17], [sflag:$0x1] =	stream.indirect_vreg.gather [hbm4b:s6+s3], $0x80, v4, vm0, $0xb8;
	[tilespmem:$0x19680] =	vst v63  }
0xdf: {  	s17 =	simm.s32 $0x1680  }
0xe0: {  	[tilespmem:s17], [sflag:$0x1] =	stream.indirect_vreg.gather [hbm4b:s2+s3], $0x80, v3, vm0, $0xb8;
	[tilespmem:$0x19680] =	vst v63  }
0xe1: {  	s17 =	simm.s32 $0x1E80  }
0xe2: {  	[tilespmem:s17], [sflag:$0x1] =	stream.indirect_vreg.gather [hbm4b:s6+s3], $0x80, v3, vm0, $0xb8;
	[tilespmem:$0x19680] =	vst v63  }
0xe3: {  	v3 =	vld [tilespmem:s16+$0xB0];
	_ =	sdelay $0x4  }
0xe4: {  	v55 =	vshll.u32 v3, $0x2  }
0xe5: {  	v3 =	vand.u32 $0x7, v3;
	v4 =	vand.u32 $0xFFFFFFE0, v55  }
0xe6: {  	v3 =	vor.u32 v3, v4  }
0xe7: {  	v4 =	vperm.xlane v3, v0;
	_ =	sdelay $0x1  }
0xe8: {  	v4 =	vadd.s32 v1, v4;
	_ =	sdelay $0x1  }
0xe9: {  	v3 =	vperm.xlane v3, v2;
	_ =	sdelay $0x1  }
0xea: {  	v3 =	vadd.s32 v1, v3  }
0xeb: {  	[tilespmem:s20], [sflag:$0x1] =	stream.indirect_vreg.gather [hbm4b:s2+s3], $0x80, v4, vm0, $0xb8;
	[tilespmem:$0x19680] =	vst v63  }
0xec: {  	s17 =	simm.s32 $0x2E80  }
0xed: {  	[tilespmem:s17], [sflag:$0x1] =	stream.indirect_vreg.gather [hbm4b:s6+s3], $0x80, v4, vm0, $0xb8;
	[tilespmem:$0x19680] =	vst v63  }
0xee: {  	s17 =	simm.s32 $0x3680  }
0xef: {  	[tilespmem:s17], [sflag:$0x1] =	stream.indirect_vreg.gather [hbm4b:s2+s3], $0x80, v3, vm0, $0xb8;
	[tilespmem:$0x19680] =	vst v63  }
0xf0: {  	_ = 	snop  }
0xf1: {  	[tilespmem:s23], [sflag:$0x1] =	stream.indirect_vreg.gather [hbm4b:s6+s3], $0x80, v3, vm0, $0xb8;
	[tilespmem:$0x19680] =	vst v63  }
0xf2: {  	v3 =	vld [tilespmem:s16+$0xC0];
	_ =	sdelay $0x4  }
0xf3: {  	v56 =	vshll.u32 v3, $0x2  }
0xf4: {  	v3 =	vand.u32 $0x7, v3;
	v4 =	vand.u32 $0xFFFFFFE0, v56  }
0xf5: {  	v3 =	vor.u32 v3, v4  }
0xf6: {  	v4 =	vperm.xlane v3, v0;
	_ =	sdelay $0x1  }
0xf7: {  	v4 =	vadd.s32 v1, v4;
	_ =	sdelay $0x1  }
0xf8: {  	v3 =	vperm.xlane v3, v2;
	_ =	sdelay $0x1  }
0xf9: {  	s17 =	simm.s32 $0x4680;
	v3 =	vadd.s32 v1, v3  }
0xfa: {  	[tilespmem:s17], [sflag:$0x1] =	stream.indirect_vreg.gather [hbm4b:s2+s3], $0x80, v4, vm0, $0xb8;
	[tilespmem:$0x19680] =	vst v63  }
0xfb: {  	_ = 	snop  }
0xfc: {  	[tilespmem:s25], [sflag:$0x1] =	stream.indirect_vreg.gather [hbm4b:s6+s3], $0x80, v4, vm0, $0xb8;
	[tilespmem:$0x19680] =	vst v63  }
0xfd: {  	_ = 	snop  }
0xfe: {  	[tilespmem:s26], [sflag:$0x1] =	stream.indirect_vreg.gather [hbm4b:s2+s3], $0x80, v3, vm0, $0xb8;
	[tilespmem:$0x19680] =	vst v63  }
0xff: {  	s17 =	simm.s32 $0x5E80  }
0x100: {  	[tilespmem:s17], [sflag:$0x1] =	stream.indirect_vreg.gather [hbm4b:s6+s3], $0x80, v3, vm0, $0xb8;
	[tilespmem:$0x19680] =	vst v63  }
0x101: {  	v3 =	vld [tilespmem:s16+$0xD0];
	_ =	sdelay $0x4  }
0x102: {  	v57 =	vshll.u32 v3, $0x2  }
0x103: {  	v3 =	vand.u32 $0x7, v3;
	v4 =	vand.u32 $0xFFFFFFE0, v57  }
0x104: {  	v3 =	vor.u32 v3, v4  }
0x105: {  	v4 =	vperm.xlane v3, v0;
	_ =	sdelay $0x1  }
0x106: {  	v4 =	vadd.s32 v1, v4;
	_ =	sdelay $0x1  }
0x107: {  	v3 =	vperm.xlane v3, v2;
	_ =	sdelay $0x1  }
0x108: {  	v3 =	vadd.s32 v1, v3  }
0x109: {  	[tilespmem:s29], [sflag:$0x1] =	stream.indirect_vreg.gather [hbm4b:s2+s3], $0x80, v4, vm0, $0xb8;
	[tilespmem:$0x19680] =	vst v63  }
0x10a: {  	_ = 	snop  }
0x10b: {  	[tilespmem:s30], [sflag:$0x1] =	stream.indirect_vreg.gather [hbm4b:s6+s3], $0x80, v4, vm0, $0xb8;
	[tilespmem:$0x19680] =	vst v63  }
0x10c: {  	s17 =	simm.s32 $0x7680  }
0x10d: {  	[tilespmem:s17], [sflag:$0x1] =	stream.indirect_vreg.gather [hbm4b:s2+s3], $0x80, v3, vm0, $0xb8;
	[tilespmem:$0x19680] =	vst v63  }
0x10e: {  	_ = 	snop  }
0x10f: {  	[tilespmem:s15], [sflag:$0x1] =	stream.indirect_vreg.gather [hbm4b:s6+s3], $0x80, v3, vm0, $0xb8;
	[tilespmem:$0x19680] =	vst v63  }
0x110: {  	v3 =	vld [tilespmem:s16+$0xE0];
	_ =	sdelay $0x4  }
0x111: {  	v58 =	vshll.u32 v3, $0x2  }
0x112: {  	v3 =	vand.u32 $0x7, v3;
	v4 =	vand.u32 $0xFFFFFFE0, v58  }
0x113: {  	v3 =	vor.u32 v3, v4  }
0x114: {  	v4 =	vperm.xlane v3, v0;
	_ =	sdelay $0x1  }
0x115: {  	v4 =	vadd.s32 v1, v4;
	_ =	sdelay $0x1  }
0x116: {  	v3 =	vperm.xlane v3, v2;
	_ =	sdelay $0x1  }
0x117: {  	s9 =	simm.s32 $0x8680;
	v3 =	vadd.s32 v1, v3  }
0x118: {  	[tilespmem:s9], [sflag:$0x1] =	stream.indirect_vreg.gather [hbm4b:s2+s3], $0x80, v4, vm0, $0xb8;
	[tilespmem:$0x19680] =	vst v63  }
0x119: {  	_ = 	snop  }
0x11a: {  	[tilespmem:s21], [sflag:$0x1] =	stream.indirect_vreg.gather [hbm4b:s6+s3], $0x80, v4, vm0, $0xb8;
	[tilespmem:$0x19680] =	vst v63  }
0x11b: {  	s17 =	simm.s32 $0x9680  }
0x11c: {  	[tilespmem:s17], [sflag:$0x1] =	stream.indirect_vreg.gather [hbm4b:s2+s3], $0x80, v3, vm0, $0xb8;
	[tilespmem:$0x19680] =	vst v63  }
0x11d: {  	s17 =	simm.s32 $0x9E80  }
0x11e: {  	[tilespmem:s17], [sflag:$0x1] =	stream.indirect_vreg.gather [hbm4b:s6+s3], $0x80, v3, vm0, $0xb8;
	[tilespmem:$0x19680] =	vst v63  }
0x11f: {  	s17 =	sadd.s32 $0xA0, s16  }
0x120: {  	[tilespmem:s18], [sflag:$0x1] =	stream.indirect.gather [hbm4b:s4+s10], $0x80, s17, s10, $0xb8;
	[tilespmem:$0x19680] =	vst v63  }
0x121: {  	_ =	swait.ge [sflag:s11], $0xA000  }
0x122: {  	[sflag:s11] =	ssyncset.done $0x0  }
0x123: {  	[sflag:s11] =	ssyncadd.s32 $0xFFFF6000  }
0x124: {  	_ =	swait.ge [sflag:s11], $0x2800  }
0x125: {  	[sflag:s11] =	ssyncset.done $0x0  }
0x126: {  	[sflag:s11] =	ssyncadd.s32 $0xFFFFD800  }
0x127: {  	v3 =	vld [tilespmem:s16+$0xF0];
	_ =	sdelay $0x4  }
0x128: {  	v59 =	vshll.u32 v3, $0x2  }
0x129: {  	v3 =	vand.u32 $0x7, v3;
	v4 =	vand.u32 $0xFFFFFFE0, v59  }
0x12a: {  	v3 =	vor.u32 v3, v4  }
0x12b: {  	v4 =	vperm.xlane v3, v0;
	_ =	sdelay $0x1  }
0x12c: {  	v4 =	vadd.s32 v1, v4;
	_ =	sdelay $0x1  }
0x12d: {  	v3 =	vperm.xlane v3, v2;
	_ =	sdelay $0x1  }
0x12e: {  	v3 =	vadd.s32 v1, v3  }
0x12f: {  	[tilespmem:s24], [sflag:$0x2] =	stream.indirect_vreg.gather [hbm4b:s2+s3], $0x80, v4, vm0, $0xb8;
	[tilespmem:$0x19680] =	vst v63  }
0x130: {  	s24 =	simm.s32 $0xAE80  }
0x131: {  	[tilespmem:s24], [sflag:$0x2] =	stream.indirect_vreg.gather [hbm4b:s6+s3], $0x80, v4, vm0, $0xb8;
	[tilespmem:$0x19680] =	vst v63  }
0x132: {  	s24 =	simm.s32 $0xB680  }
0x133: {  	[tilespmem:s24], [sflag:$0x2] =	stream.indirect_vreg.gather [hbm4b:s2+s3], $0x80, v3, vm0, $0xb8;
	[tilespmem:$0x19680] =	vst v63  }
0x134: {  	s24 =	simm.s32 $0xBE80  }
0x135: {  	[tilespmem:s24], [sflag:$0x2] =	stream.indirect_vreg.gather [hbm4b:s6+s3], $0x80, v3, vm0, $0xb8;
	[tilespmem:$0x19680] =	vst v63  }
0x136: {  	v3 =	vld [tilespmem:s16+$0x100];
	_ =	sdelay $0x4  }
0x137: {  	v60 =	vshll.u32 v3, $0x2  }
0x138: {  	v3 =	vand.u32 $0x7, v3;
	v4 =	vand.u32 $0xFFFFFFE0, v60  }
0x139: {  	v3 =	vor.u32 v3, v4  }
0x13a: {  	v4 =	vperm.xlane v3, v0;
	_ =	sdelay $0x1  }
0x13b: {  	v4 =	vadd.s32 v1, v4;
	_ =	sdelay $0x1  }
0x13c: {  	v3 =	vperm.xlane v3, v2;
	_ =	sdelay $0x1  }
0x13d: {  	s24 =	simm.s32 $0xC680;
	v3 =	vadd.s32 v1, v3  }
0x13e: {  	[tilespmem:s24], [sflag:$0x2] =	stream.indirect_vreg.gather [hbm4b:s2+s3], $0x80, v4, vm0, $0xb8;
	[tilespmem:$0x19680] =	vst v63  }
0x13f: {  	s24 =	simm.s32 $0xCE80  }
0x140: {  	[tilespmem:s24], [sflag:$0x2] =	stream.indirect_vreg.gather [hbm4b:s6+s3], $0x80, v4, vm0, $0xb8;
	[tilespmem:$0x19680] =	vst v63  }
0x141: {  	s24 =	simm.s32 $0xD680  }
0x142: {  	[tilespmem:s24], [sflag:$0x2] =	stream.indirect_vreg.gather [hbm4b:s2+s3], $0x80, v3, vm0, $0xb8;
	[tilespmem:$0x19680] =	vst v63  }
0x143: {  	s24 =	simm.s32 $0xDE80  }
0x144: {  	[tilespmem:s24], [sflag:$0x2] =	stream.indirect_vreg.gather [hbm4b:s6+s3], $0x80, v3, vm0, $0xb8;
	[tilespmem:$0x19680] =	vst v63  }
0x145: {  	v3 =	vld [tilespmem:s16+$0x110];
	_ =	sdelay $0x4  }
0x146: {  	v61 =	vshll.u32 v3, $0x2  }
0x147: {  	v3 =	vand.u32 $0x7, v3;
	v4 =	vand.u32 $0xFFFFFFE0, v61  }
0x148: {  	v3 =	vor.u32 v3, v4  }
0x149: {  	v4 =	vperm.xlane v3, v0;
	_ =	sdelay $0x1  }
0x14a: {  	v4 =	vadd.s32 v1, v4;
	_ =	sdelay $0x1  }
0x14b: {  	v3 =	vperm.xlane v3, v2;
	_ =	sdelay $0x1  }
0x14c: {  	s24 =	simm.s32 $0xE680;
	v3 =	vadd.s32 v1, v3  }
0x14d: {  	[tilespmem:s24], [sflag:$0x2] =	stream.indirect_vreg.gather [hbm4b:s2+s3], $0x80, v4, vm0, $0xb8;
	[tilespmem:$0x19680] =	vst v63  }
0x14e: {  	s24 =	simm.s32 $0xEE80  }
0x14f: {  	[tilespmem:s24], [sflag:$0x2] =	stream.indirect_vreg.gather [hbm4b:s6+s3], $0x80, v4, vm0, $0xb8;
	[tilespmem:$0x19680] =	vst v63  }
0x150: {  	s24 =	simm.s32 $0xF680  }
0x151: {  	[tilespmem:s24], [sflag:$0x2] =	stream.indirect_vreg.gather [hbm4b:s2+s3], $0x80, v3, vm0, $0xb8;
	[tilespmem:$0x19680] =	vst v63  }
0x152: {  	s24 =	simm.s32 $0xFE80  }
0x153: {  	[tilespmem:s24], [sflag:$0x2] =	stream.indirect_vreg.gather [hbm4b:s6+s3], $0x80, v3, vm0, $0xb8;
	[tilespmem:$0x19680] =	vst v63  }
0x154: {  	v3 =	vld [tilespmem:s16+$0x120];
	_ =	sdelay $0x4  }
0x155: {  	v62 =	vshll.u32 v3, $0x2  }
0x156: {  	v3 =	vand.u32 $0x7, v3;
	v4 =	vand.u32 $0xFFFFFFE0, v62  }
0x157: {  	v3 =	vor.u32 v3, v4  }
0x158: {  	v4 =	vperm.xlane v3, v0;
	_ =	sdelay $0x1  }
0x159: {  	v4 =	vadd.s32 v1, v4;
	_ =	sdelay $0x1  }
0x15a: {  	v3 =	vperm.xlane v3, v2;
	_ =	sdelay $0x1  }
0x15b: {  	s24 =	simm.s32 $0x10680;
	v3 =	vadd.s32 v1, v3  }
0x15c: {  	[tilespmem:s24], [sflag:$0x2] =	stream.indirect_vreg.gather [hbm4b:s2+s3], $0x80, v4, vm0, $0xb8;
	[tilespmem:$0x19680] =	vst v63  }
0x15d: {  	s24 =	simm.s32 $0x10E80  }
0x15e: {  	[tilespmem:s24], [sflag:$0x2] =	stream.indirect_vreg.gather [hbm4b:s6+s3], $0x80, v4, vm0, $0xb8;
	[tilespmem:$0x19680] =	vst v63  }
0x15f: {  	s24 =	simm.s32 $0x11680  }
0x160: {  	[tilespmem:s24], [sflag:$0x2] =	stream.indirect_vreg.gather [hbm4b:s2+s3], $0x80, v3, vm0, $0xb8;
	[tilespmem:$0x19680] =	vst v63  }
0x161: {  	s24 =	simm.s32 $0x11E80  }
0x162: {  	[tilespmem:s24], [sflag:$0x2] =	stream.indirect_vreg.gather [hbm4b:s6+s3], $0x80, v3, vm0, $0xb8;
	[tilespmem:$0x19680] =	vst v63  }
0x163: {  	v3 =	vld [tilespmem:s16+$0x130];
	_ =	sdelay $0x4  }
0x164: {  	v63 =	vshll.u32 v3, $0x2  }
0x165: {  	v3 =	vand.u32 $0x7, v3;
	v4 =	vand.u32 $0xFFFFFFE0, v63  }
0x166: {  	v3 =	vor.u32 v3, v4  }
0x167: {  	v4 =	vperm.xlane v3, v0;
	_ =	sdelay $0x1  }
0x168: {  	v4 =	vadd.s32 v1, v4;
	_ =	sdelay $0x1  }
0x169: {  	v3 =	vperm.xlane v3, v2;
	_ =	sdelay $0x1  }
0x16a: {  	s24 =	simm.s32 $0x12680;
	v3 =	vadd.s32 v1, v3  }
0x16b: {  	[tilespmem:s24], [sflag:$0x2] =	stream.indirect_vreg.gather [hbm4b:s2+s3], $0x80, v4, vm0, $0xb8;
	[tilespmem:$0x19680] =	vst v63  }
0x16c: {  	_ = 	snop  }
0x16d: {  	[tilespmem:s31], [sflag:$0x2] =	stream.indirect_vreg.gather [hbm4b:s6+s3], $0x80, v4, vm0, $0xb8;
	[tilespmem:$0x19680] =	vst v63  }
0x16e: {  	p0 =	sne.s32 s14, $0x1400  }
0x16f: {  	[tilespmem:s22], [sflag:$0x2] =	stream.indirect_vreg.gather [hbm4b:s2+s3], $0x80, v3, vm0, $0xb8;
	[tilespmem:$0x19680] =	vst v63  }
.Ltmp0:
0x170: {  	s28 =	simm.s32 $0x14680;
	s13 =	sadd.s32 $0x2800, s13;
	(pc) =	sbr.rel @p0 .LBB2_2-.Ltmp0, $4  }
0x171: {  	s12 =	sadd.s32 $0xA00, s12;
	s14 =	sadd.s32 $0x280, s14;
	s8 =	simm.s32 $0x680  }
0x172: {  	[tilespmem:s19], [sflag:$0x2] =	stream.indirect_vreg.gather [hbm4b:s6+s3], $0x80, v3, vm0, $0xb8;
	[tilespmem:$0x19680] =	vst v63  }
0x173: {  	s17 =	simm.s32 $0xE80;
	s18 =	simm.s32 $0xA680;
	s16 =	sadd.s32 $0xF0, s16  }
0x174: {  	[tilespmem:s1], [sflag:$0x2] =	stream.indirect.gather [hbm4b:s4+s10], $0x80, s16, s10, $0xb8;
	[tilespmem:$0x19680] =	vst v63  }
0x175: {  	_ =	swait.ge [sflag:s0], $0xA000  }
0x176: {  	[sflag:s0] =	ssyncset.done $0x0  }
0x177: {  	[sflag:s0] =	ssyncadd.s32 $0xFFFF6000  }
0x178: {  	_ =	swait.ge [sflag:s0], $0x2800  }
0x179: {  	[sflag:s0] =	ssyncset.done $0x0  }
0x17a: {  	s12 =	rddreg [dreg:$0x4];
	[sflag:s0] =	ssyncadd.s32 $0xFFFFD800  }
0x17b: {  	[hbm4b:s12+s3] =	stream.linear.scatter [tilespmem:s8], [sflag:$0x3], $0xA000, $0x38;
	[tilespmem:$0x19680] =	vst v63  }
0x17c: {  	s23 =	rddreg [dreg:$0x5]  }
0x17d: {  	[hbm4b:s23+s3] =	stream.linear.scatter [tilespmem:s28], [sflag:$0x3], $0x2800, $0x38;
	[tilespmem:$0x19680] =	vst v63  }
0x17e: {  	_ =	swait.ge [sflag:s5], $0xA000  }
0x17f: {  	[sflag:s5] =	ssyncset.done $0x0  }
0x180: {  	[sflag:s5] =	ssyncadd.s32 $0xFFFF6000  }
0x181: {  	_ =	swait.ge [sflag:s5], $0x2800  }
0x182: {  	[sflag:s5] =	ssyncset.done $0x0  }
0x183: {  	s24 =	rddreg [dreg:$0x6];
	[sflag:s5] =	ssyncadd.s32 $0xFFFFD800  }
0x184: {  	[hbm4b:s24+s3] =	stream.linear.scatter [tilespmem:s18], [sflag:$0x4], $0xA000, $0x38;
	[tilespmem:$0x19680] =	vst v63  }
0x185: {  	s25 =	rddreg [dreg:$0x7]  }
0x186: {  	[hbm4b:s25+s3] =	stream.linear.scatter [tilespmem:s1], [sflag:$0x4], $0x2800, $0x38;
	[tilespmem:$0x19680] =	vst v63  }
0x187: {  	_ =	swait.ge [sflag:s7], $0xA000  }
0x188: {  	[sflag:s7] =	ssyncset.done $0x0  }
0x189: {  	[sflag:s7] =	ssyncadd.s32 $0xFFFF6000  }
0x18a: {  	_ =	swait.ge [sflag:s7], $0x2800  }
0x18b: {  	[sflag:s7] =	ssyncset.done $0x0  }
0x18c: {  	[sflag:s7] =	ssyncadd.s32 $0xFFFFD800  }
0x18d: {  	_ =	swait.ge [sflag:s11], $0xA000  }
0x18e: {  	[sflag:s11] =	ssyncset.done $0x0  }
0x18f: {  	[sflag:s11] =	ssyncadd.s32 $0xFFFF6000  }
0x190: {  	_ =	swait.ge [sflag:s11], $0x2800  }
0x191: {  	s13 =	simm.s32 $0x1680;
	s14 =	simm.s32 $0x1E80;
	s10 =	rddreg [dreg:$0xb]  }
0x192: {  	s16 =	simm.s32 $0x2680;
	s26 =	rddreg [dreg:$0x8];
	s10 =	sadd.s32 $0x1, s10  }
0x193: {  	s31 =	simm.s32 $0x2E80;
	s19 =	simm.s32 $0x3680;
	p0 =	sne.s32 s10, s26  }
.Ltmp1:
0x194: {  	s20 =	simm.s32 $0x3E80;
	s21 =	simm.s32 $0x4680;
	(pc) =	sbr.rel @p0 .LBB2_1-.Ltmp1, $4  }
0x195: {  	s22 =	simm.s32 $0x4E80;
	s30 =	simm.s32 $0x7680;
	s15 =	simm.s32 $0x7E80  }
0x196: {  	s29 =	simm.s32 $0x50;
	s23 =	simm.s32 $0x5680;
	[sflag:s11] =	ssyncset.done $0x0  }
0x197: {  	s24 =	simm.s32 $0x5E80;
	s25 =	simm.s32 $0x6680;
	[sflag:s11] =	ssyncadd.s32 $0xFFFFD800  }
0x198: {  	[dreg:$0xb] =	wrdreg s10;
	s26 =	simm.s32 $0x6E80;
	s10 =	simm.s32 $0x8E80  }
0x199: {  	_ =	sfence.sel $0x180000  }
0x19a: {  	[bflag:$0x0] =	sbarrier.arrive $0xFFFF  }
0x19b: {  	_ =	strace $0x90000047  }
0x19c: {  	s0 =	stileid.u32;
	[bflag:$0x2] =	sbarrier.arrive $0xFFFF  }
0x19d: {  	p0 =	sne.s32 s0, $0x0;
	s0 =	rddreg [dreg:$0x2]  }
0x19e: {  	s0 =	sadd.s32 @!p0 $0x100000, s0  }
0x19f: {  	[sflag:s0] =	ssyncadd.tile.s32 @!p0 $0x1;
	_ =	shalt  }
.Lfunc_end2:
_tile_overlayer_lowered:
.L_overlay_start_2:
0x1a0: {  	(tag) =	ssettag $0x2  }
0x1a1: {  	s0 =	rddreg [dreg:$0x0];
	s2 =	stileid.u32  }
0x1a2: {  	s1 =	rddreg [dreg:$0x1];
	p0 =	sne.s32 s2, $0x0  }
0x1a3: {  	s3 =	rddreg [dreg:$0x2];
	[bflag:$0x3] =	sbarrier.arrive $0xFFFF;
	s2 =	simm.s32 @!p0 $0x1C05  }
0x1a4: {  	[timem:s3], [sflag:s2] =	dma.local @!p0 [hbm:s0], s1  }
0x1a5: {  	s0 =	simm.s32 @!p0 $0x5  }
0x1a6: {  	_ =	swait.ge @!p0 [sflag:s0], s1  }
0x1a7: {  	s1 =	ssub.s32 @!p0 $0x0, s1;
	[sflag:s0] =	ssyncset.done @!p0 $0x0  }
0x1a8: {  	[sflag:s0] =	ssyncadd.s32 @!p0 s1  }
0x1a9: {  	[bflag:$0x3] =	sbarrier.arrive $0xFFFF  }
0x1aa: {  	_ =	shalt  }

</sc_bundles>
